<compile_context>
chip_gen: v7x
topology: tpu7x:2x2x1
jax: 0.10.2.dev20260603
libtpu: 0.0.44.dev20260713+nightly
codegen_flags: <defaults>
</compile_context>

<pallas_src>
import functools

import jax
import jax.numpy as jnp
from jax import lax
from jax.experimental import pallas as pl
from jax.experimental.pallas import tpu as pltpu
from jax.experimental.pallas import tpu_sc as plsc

D = 64
EPS = 1e-5
L = 16
NC = 2
NS = 16
NW = NC * NS
BB = 128


def _rsqrt_scalar(x):
    i = lax.bitcast_convert_type(x, jnp.int32)
    i = jnp.int32(0x5F3759DF) - lax.shift_right_logical(i, 1)
    y = lax.bitcast_convert_type(i, jnp.float32)
    for _ in range(2):
        y = y * (1.5 - 0.5 * x * y * y)
    return y


@functools.partial(jax.jit, static_argnames=("n_tok", "n_b"))
def _sc_embed_ln(xt_flat, table, gamma, beta, *, n_tok, n_b):
    n_rows = n_tok * n_b
    u_per_w = (n_rows // BB) // NW
    mesh = plsc.VectorSubcoreMesh(core_axis_name="c", subcore_axis_name="s")

    @functools.partial(
        pl.kernel,
        mesh=mesh,
        compiler_params=pltpu.CompilerParams(
            needs_layout_passes=False, use_tc_tiling_on_sc=False),
        out_type=jax.ShapeDtypeStruct((n_rows, D), jnp.float32),
        scratch_types=[
            pltpu.VMEM((u_per_w * BB,), jnp.int32),
            pltpu.VMEM((BB, D), jnp.float32),
            pltpu.VMEM((BB, D), jnp.float32),
            pltpu.VMEM((D,), jnp.float32),
            pltpu.VMEM((D,), jnp.float32),
            pltpu.SemaphoreType.DMA,
            pltpu.SemaphoreType.DMA,
            pltpu.SemaphoreType.DMA,
            pltpu.SemaphoreType.DMA,
        ],
    )
    def body(x_hbm, table_hbm, gam_hbm, bet_hbm, out_hbm,
             idx_all, rows0, rows1, gam_v, bet_v,
             sg0, sg1, so0, so1):
        wid = lax.axis_index("s") * NC + lax.axis_index("c")
        u0 = wid * u_per_w
        rows = (rows0, rows1)
        sgs = (sg0, sg1)
        sos = (so0, so1)

        pltpu.sync_copy(x_hbm.at[pl.ds(u0 * BB, u_per_w * BB)], idx_all)
        pltpu.sync_copy(gam_hbm, gam_v)
        pltpu.sync_copy(bet_hbm, bet_v)
        g_vecs = [gam_v[pl.ds(16 * k, L)] for k in range(D // L)]
        b_vecs = [bet_v[pl.ds(16 * k, L)] for k in range(D // L)]

        def gather(u_local, b):
            pltpu.async_copy(
                table_hbm.at[idx_all.at[pl.ds(u_local * BB, BB)]],
                rows[b], sgs[b])

        def wait_gather(b):
            pltpu.make_async_copy(
                table_hbm.at[idx_all.at[pl.ds(0, BB)]], rows[b],
                sgs[b]).wait()

        def writeout(u_local, b):
            pltpu.async_copy(
                rows[b], out_hbm.at[pl.ds((u0 + u_local) * BB, BB)], sos[b])

        def wait_writeout(b):
            pltpu.make_async_copy(
                rows[b], out_hbm.at[pl.ds(0, BB)], sos[b]).wait()

        def compute(b):
            rows_v = rows[b]

            @plsc.parallel_loop(0, BB, unroll=2)
            def _(r):
                row = rows_v.at[r]
                a = [row[pl.ds(16 * k, L)] for k in range(D // L)]
                s4 = (a[0] + a[1]) + (a[2] + a[3])
                q4 = (a[0] * a[0] + a[1] * a[1]) + (a[2] * a[2] + a[3] * a[3])
                ssum = jnp.sum(s4)
                qsum = jnp.sum(q4)
                mean = ssum * (1.0 / D)
                var = qsum * (1.0 / D) - mean * mean
                rstd = _rsqrt_scalar(var + (EPS / D))
                p = mean * rstd
                for k in range(D // L):
                    row[pl.ds(16 * k, L)] = (
                        (a[k] * rstd - p) * g_vecs[k] + b_vecs[k])

        gather(0, 0)

        def unit_step(i, carry):
            for b in range(2):
                u_local = 2 * i + b

                @pl.when(jnp.logical_and(u_local >= 1,
                                         u_local + 1 < u_per_w))
                def _():
                    wait_writeout(1 - b)

                @pl.when(u_local + 1 < u_per_w)
                def _():
                    gather(u_local + 1, 1 - b)

                wait_gather(b)
                compute(b)
                writeout(u_local, b)
            return carry

        lax.fori_loop(0, u_per_w // 2, unit_step, 0)
        wait_writeout(0)
        wait_writeout(1)

    return body(xt_flat, table, gamma, beta)


def kernel(x, table, gamma, beta):
    n_b, n_tok = x.shape
    xt_flat = x.T.reshape(n_b * n_tok).astype(jnp.int32)
    y = _sc_embed_ln(xt_flat, table, gamma, beta, n_tok=n_tok, n_b=n_b)
    return y.reshape(n_tok, n_b, D).transpose((1, 0, 2))

# --- scband reference (transcript-rebuilt; emitter-appended) ---
"""Pipeline reference for scband-language-embedding-39238821216742 (READ-ONLY COPY).

The authoritative reference and input builder live on the scoring server;
editing this copy changes nothing except your own understanding.
"""

import jax, jax.numpy as jnp
import numpy as np
import math

VOCAB = 1000000
EMBED_DIM = 64
EPS = 1e-5

def setup_inputs(seed: int = 0) -> dict:
    key = jax.random.key(seed)
    k1, k2 = jax.random.split(key)
    x = jax.random.randint(k1, (1024, 200), 0, VOCAB, dtype=jnp.int64 if jax.config.jax_enable_x64 else jnp.int32)
    # xavier-uniform style init for embedding table
    limit = math.sqrt(6.0 / (VOCAB + EMBED_DIM))
    table = jax.random.uniform(k2, (VOCAB, EMBED_DIM), dtype=jnp.float32, minval=-limit, maxval=limit)
    gamma = jnp.ones((EMBED_DIM,), dtype=jnp.float32)
    beta = jnp.zeros((EMBED_DIM,), dtype=jnp.float32)
    return {"x": x, "table": table, "gamma": gamma, "beta": beta}

def reference(x, table, gamma, beta):
    # embedding lookup
    out = jnp.take(table, x, axis=0)  # [B, T, D]
    # scale by sqrt(d_model)
    out = out * math.sqrt(EMBED_DIM)
    # LayerNorm over last dim (elementwise affine)
    mean = jnp.mean(out, axis=-1, keepdims=True)
    var = jnp.var(out, axis=-1, keepdims=True)
    out = (out - mean) / jnp.sqrt(var + EPS)
    out = out * gamma + beta
    # dropout is identity in eval mode
    return out

if __name__ == "__main__":
    import jax
    _d = setup_inputs()
    print(jax.jit(kernel)(*tuple(_d.values())))

</pallas_src>

<mosaic_0001>
#map = affine_map<(d0, d1) -> (0)>
#map1 = affine_map<(d0, d1) -> (0, 0)>
module attributes {stable_mosaic.version = 14 : i64} {
  func.func @body(%arg0: i32, %arg1: i32, %arg2: memref<204800xi32, #tpu.memory_space<hbm>>, %arg3: memref<1000000x64xf32, #tpu.memory_space<hbm>>, %arg4: memref<64xf32, #tpu.memory_space<hbm>>, %arg5: memref<64xf32, #tpu.memory_space<hbm>>, %arg6: memref<204800x64xf32, #tpu.memory_space<hbm>>, %arg7: memref<6400xi32, #tpu.memory_space<vmem>>, %arg8: memref<128x64xf32, #tpu.memory_space<vmem>>, %arg9: memref<128x64xf32, #tpu.memory_space<vmem>>, %arg10: memref<64xf32, #tpu.memory_space<vmem>>, %arg11: memref<64xf32, #tpu.memory_space<vmem>>, %arg12: memref<!tpu.dma_semaphore, #tpu.memory_space<semaphore_mem>>, %arg13: memref<!tpu.dma_semaphore, #tpu.memory_space<semaphore_mem>>, %arg14: memref<!tpu.dma_semaphore, #tpu.memory_space<semaphore_mem>>, %arg15: memref<!tpu.dma_semaphore, #tpu.memory_space<semaphore_mem>>) attributes {dimension_semantics = [#tpu.dimension_semantics<core_parallel>, #tpu.dimension_semantics<subcore_parallel>], iteration_bounds = array<i64: 2, 16>, scalar_prefetch = 0 : i64, scratch_operands = 9 : i64, tpu.core_type = #tpu.core_type<sc_vector_subcore>, window_params = [{transform_indices = #map}, {transform_indices = #map1}, {transform_indices = #map}, {transform_indices = #map}, {transform_indices = #map1}]} {
    %mul3A = arith.constant 2 : i32
    %mul3A_0 = arith.muli %arg1, %mul3A : i32
    %add3A = arith.addi %mul3A_0, %arg0 : i32
    %mul3A_1 = arith.constant 50 : i32
    %mul3A_2 = arith.muli %add3A, %mul3A_1 : i32
    %mul3A_3 = arith.constant 128 : i32
    %mul3A_4 = arith.muli %mul3A_2, %mul3A_3 : i32
    "tpu.region"() ({
      %run_scoped3A = tpu.sem_alloc : memref<!tpu.dma_semaphore, #tpu.memory_space<semaphore_mem>>
      %dma_start3A_40 = tpu.memref_slice %arg2[%mul3A_4] : memref<204800xi32, #tpu.memory_space<hbm>> -> memref<6400xi32, #tpu.memory_space<hbm>>
      %dma_start3A_41 = tpu.memref_slice %arg2[%mul3A_4] : memref<204800xi32, #tpu.memory_space<hbm>> -> memref<6400xi32, #tpu.memory_space<hbm>>
      tpu.enqueue_dma source(%dma_start3A_41 : memref<6400xi32, #tpu.memory_space<hbm>>) target(%arg7 : memref<6400xi32, #tpu.memory_space<vmem>>) target_semaphore(%run_scoped3A : memref<!tpu.dma_semaphore, #tpu.memory_space<semaphore_mem>>)
      %dma_wait3A_42 = tpu.memref_slice %arg2[%mul3A_4] : memref<204800xi32, #tpu.memory_space<hbm>> -> memref<6400xi32, #tpu.memory_space<hbm>>
      %dma_wait3A_43 = tpu.memref_slice %arg2[%mul3A_4] : memref<204800xi32, #tpu.memory_space<hbm>> -> memref<6400xi32, #tpu.memory_space<hbm>>
      tpu.wait_dma2 semaphore(%run_scoped3A : memref<!tpu.dma_semaphore, #tpu.memory_space<semaphore_mem>>) src(%dma_wait3A_43 : memref<6400xi32, #tpu.memory_space<hbm>>) dst(%arg7 : memref<6400xi32, #tpu.memory_space<vmem>>)
      tpu.yield
    }) : () -> ()
    "tpu.region"() ({
      %run_scoped3A = tpu.sem_alloc : memref<!tpu.dma_semaphore, #tpu.memory_space<semaphore_mem>>
      tpu.enqueue_dma source(%arg4 : memref<64xf32, #tpu.memory_space<hbm>>) target(%arg10 : memref<64xf32, #tpu.memory_space<vmem>>) target_semaphore(%run_scoped3A : memref<!tpu.dma_semaphore, #tpu.memory_space<semaphore_mem>>)
      tpu.wait_dma2 semaphore(%run_scoped3A : memref<!tpu.dma_semaphore, #tpu.memory_space<semaphore_mem>>) src(%arg4 : memref<64xf32, #tpu.memory_space<hbm>>) dst(%arg10 : memref<64xf32, #tpu.memory_space<vmem>>)
      tpu.yield
    }) : () -> ()
    "tpu.region"() ({
      %run_scoped3A = tpu.sem_alloc : memref<!tpu.dma_semaphore, #tpu.memory_space<semaphore_mem>>
      tpu.enqueue_dma source(%arg5 : memref<64xf32, #tpu.memory_space<hbm>>) target(%arg11 : memref<64xf32, #tpu.memory_space<vmem>>) target_semaphore(%run_scoped3A : memref<!tpu.dma_semaphore, #tpu.memory_space<semaphore_mem>>)
      tpu.wait_dma2 semaphore(%run_scoped3A : memref<!tpu.dma_semaphore, #tpu.memory_space<semaphore_mem>>) src(%arg5 : memref<64xf32, #tpu.memory_space<hbm>>) dst(%arg11 : memref<64xf32, #tpu.memory_space<vmem>>)
      tpu.yield
    }) : () -> ()
    %get3A = arith.constant 0 : index
    %get3A_5 = tpu.vector_load %arg10[%get3A] {strides = array<i32>} : memref<64xf32, #tpu.memory_space<vmem>>, vector<16xf32>,
    %get3A_6 = arith.constant 16 : index
    %get3A_7 = tpu.vector_load %arg10[%get3A_6] {strides = array<i32>} : memref<64xf32, #tpu.memory_space<vmem>>, vector<16xf32>,
    %get3A_8 = arith.constant 32 : index
    %get3A_9 = tpu.vector_load %arg10[%get3A_8] {strides = array<i32>} : memref<64xf32, #tpu.memory_space<vmem>>, vector<16xf32>,
    %get3A_10 = arith.constant 48 : index
    %get3A_11 = tpu.vector_load %arg10[%get3A_10] {strides = array<i32>} : memref<64xf32, #tpu.memory_space<vmem>>, vector<16xf32>,
    %get3A_12 = arith.constant 0 : index
    %get3A_13 = tpu.vector_load %arg11[%get3A_12] {strides = array<i32>} : memref<64xf32, #tpu.memory_space<vmem>>, vector<16xf32>,
    %get3A_14 = arith.constant 16 : index
    %get3A_15 = tpu.vector_load %arg11[%get3A_14] {strides = array<i32>} : memref<64xf32, #tpu.memory_space<vmem>>, vector<16xf32>,
    %get3A_16 = arith.constant 32 : index
    %get3A_17 = tpu.vector_load %arg11[%get3A_16] {strides = array<i32>} : memref<64xf32, #tpu.memory_space<vmem>>, vector<16xf32>,
    %get3A_18 = arith.constant 48 : index
    %get3A_19 = tpu.vector_load %arg11[%get3A_18] {strides = array<i32>} : memref<64xf32, #tpu.memory_space<vmem>>, vector<16xf32>,
    %dma_start3A = arith.constant 0 : i32
    %dma_start3A_20 = tpu.memref_slice %arg7[%dma_start3A] : memref<6400xi32, #tpu.memory_space<vmem>> -> memref<128xi32, #tpu.memory_space<vmem>>
    %dma_start3A_21 = arith.constant 0 : i32
    %dma_start3A_22 = arith.constant 0 : i32
    %dma_start3A_23 = tpu.memref_slice %arg3[%dma_start3A_21, %dma_start3A_22] : memref<1000000x64xf32, #tpu.memory_space<hbm>> -> memref<1000000x64xf32, #tpu.memory_space<hbm>>
    tpu.enqueue_indirect_dma source(%dma_start3A_23 : memref<1000000x64xf32, #tpu.memory_space<hbm>>) target(%arg8 : memref<128x64xf32, #tpu.memory_space<vmem>>) offsets(%dma_start3A_20 : memref<128xi32, #tpu.memory_space<vmem>>) semaphore(%arg12 : memref<!tpu.dma_semaphore, #tpu.memory_space<semaphore_mem>>)
    %scan3A = arith.constant 0 : i32
    %scan3A_24 = arith.constant 0 : i32
    %scan3A_25 = arith.constant 25 : i32
    %scan3A_26 = arith.addi %scan3A_24, %scan3A_25 : i32
    %scan3A_27 = arith.constant 1 : i32
    scf.for %scan3A_40 = %scan3A_24 to %scan3A_26 step %scan3A_27  : i32 {
      %mul3A_41 = arith.constant 2 : i32
      %mul3A_42 = arith.muli %mul3A_41, %scan3A_40 : i32
      %add3A_43 = arith.constant 0 : i32
      %add3A_44 = arith.addi %mul3A_42, %add3A_43 : i32
      %ge3A = arith.constant 1 : i32
      %ge3A_45 = arith.cmpi sge, %add3A_44, %ge3A : i32
      %add3A_46 = arith.constant 1 : i32
      %add3A_47 = arith.addi %add3A_44, %add3A_46 : i32
      %lt3A = arith.constant 50 : i32
      %lt3A_48 = arith.cmpi slt, %add3A_47, %lt3A : i32
      %and3A = arith.andi %ge3A_45, %lt3A_48 : i1
      %convert_element_type3A = arith.extui %and3A : i1 to i32
      %cond3A = arith.constant 0 : i32
      %cond3A_49 = arith.cmpi ne, %convert_element_type3A, %cond3A : i32
      scf.if %cond3A_49 {
        %dma_wait3A_107 = arith.constant 0 : i32
        %dma_wait3A_108 = arith.constant 0 : i32
        %dma_wait3A_109 = tpu.memref_slice %arg6[%dma_wait3A_107, %dma_wait3A_108] : memref<204800x64xf32, #tpu.memory_space<hbm>> -> memref<128x64xf32, #tpu.memory_space<hbm>>
        %dma_wait3A_110 = arith.constant 0 : i32
        %dma_wait3A_111 = arith.constant 0 : i32
        %dma_wait3A_112 = tpu.memref_slice %arg6[%dma_wait3A_110, %dma_wait3A_111] : memref<204800x64xf32, #tpu.memory_space<hbm>> -> memref<128x64xf32, #tpu.memory_space<hbm>>
        tpu.wait_dma2 semaphore(%arg15 : memref<!tpu.dma_semaphore, #tpu.memory_space<semaphore_mem>>) src(%arg9 : memref<128x64xf32, #tpu.memory_space<vmem>>) dst(%dma_wait3A_112 : memref<128x64xf32, #tpu.memory_space<hbm>>)
      } else {
      }
      %add3A_50 = arith.constant 1 : i32
      %add3A_51 = arith.addi %add3A_44, %add3A_50 : i32
      %lt3A_52 = arith.constant 50 : i32
      %lt3A_53 = arith.cmpi slt, %add3A_51, %lt3A_52 : i32
      %convert_element_type3A_54 = arith.extui %lt3A_53 : i1 to i32
      %cond3A_55 = arith.constant 0 : i32
      %cond3A_56 = arith.cmpi ne, %convert_element_type3A_54, %cond3A_55 : i32
      scf.if %cond3A_56 {
        %add3A_107 = arith.constant 1 : i32
        %add3A_108 = arith.addi %add3A_44, %add3A_107 : i32
        %mul3A_109 = arith.constant 128 : i32
        %mul3A_110 = arith.muli %add3A_108, %mul3A_109 : i32
        %dma_start3A_111 = tpu.memref_slice %arg7[%mul3A_110] : memref<6400xi32, #tpu.memory_space<vmem>> -> memref<128xi32, #tpu.memory_space<vmem>>
        %dma_start3A_112 = arith.constant 0 : i32
        %dma_start3A_113 = arith.constant 0 : i32
        %dma_start3A_114 = tpu.memref_slice %arg3[%dma_start3A_112, %dma_start3A_113] : memref<1000000x64xf32, #tpu.memory_space<hbm>> -> memref<1000000x64xf32, #tpu.memory_space<hbm>>
        tpu.enqueue_indirect_dma source(%dma_start3A_114 : memref<1000000x64xf32, #tpu.memory_space<hbm>>) target(%arg9 : memref<128x64xf32, #tpu.memory_space<vmem>>) offsets(%dma_start3A_111 : memref<128xi32, #tpu.memory_space<vmem>>) semaphore(%arg13 : memref<!tpu.dma_semaphore, #tpu.memory_space<semaphore_mem>>)
      } else {
      }
      %dma_wait3A_57 = arith.constant 0 : i32
      %dma_wait3A_58 = tpu.memref_slice %arg7[%dma_wait3A_57] : memref<6400xi32, #tpu.memory_space<vmem>> -> memref<128xi32, #tpu.memory_space<vmem>>
      %dma_wait3A_59 = arith.constant 0 : i32
      %dma_wait3A_60 = arith.constant 0 : i32
      %dma_wait3A_61 = tpu.memref_slice %arg3[%dma_wait3A_59, %dma_wait3A_60] : memref<1000000x64xf32, #tpu.memory_space<hbm>> -> memref<1000000x64xf32, #tpu.memory_space<hbm>>
      tpu.wait_indirect_dma semaphore(%arg12 : memref<!tpu.dma_semaphore, #tpu.memory_space<semaphore_mem>>) src(%dma_wait3A_61 : memref<1000000x64xf32, #tpu.memory_space<hbm>>) dst(%arg8 : memref<128x64xf32, #tpu.memory_space<vmem>>)
      %parallel_loop3A = arith.constant 0 : i32
      %parallel_loop3A_62 = arith.constant 128 : i32
      %parallel_loop3A_63 = arith.constant 1 : i32
      scf.for %parallel_loop3A_107 = %parallel_loop3A to %parallel_loop3A_62 step %parallel_loop3A_63  : i32 {
        %parallel_loop3A_108 = arith.constant 0 : i32
        %parallel_loop3A_109 = tpu.memref_slice %arg8[%parallel_loop3A_107, %parallel_loop3A_108] : memref<128x64xf32, #tpu.memory_space<vmem>> -> memref<1x64xf32, #tpu.memory_space<vmem>>
        %parallel_loop3A_110 = tpu.memref_squeeze %parallel_loop3A_109 : memref<1x64xf32, #tpu.memory_space<vmem>> -> memref<64xf32, #tpu.memory_space<vmem>>
        %parallel_loop3A_111 = arith.constant 0 : index
        %parallel_loop3A_112 = tpu.vector_load %parallel_loop3A_110[%parallel_loop3A_111] {strides = array<i32>} : memref<64xf32, #tpu.memory_space<vmem>>, vector<16xf32>,
        %parallel_loop3A_113 = arith.constant 0 : i32
        %parallel_loop3A_114 = tpu.memref_slice %arg8[%parallel_loop3A_107, %parallel_loop3A_113] : memref<128x64xf32, #tpu.memory_space<vmem>> -> memref<1x64xf32, #tpu.memory_space<vmem>>
        %parallel_loop3A_115 = tpu.memref_squeeze %parallel_loop3A_114 : memref<1x64xf32, #tpu.memory_space<vmem>> -> memref<64xf32, #tpu.memory_space<vmem>>
        %parallel_loop3A_116 = arith.constant 16 : index
        %parallel_loop3A_117 = tpu.vector_load %parallel_loop3A_115[%parallel_loop3A_116] {strides = array<i32>} : memref<64xf32, #tpu.memory_space<vmem>>, vector<16xf32>,
        %parallel_loop3A_118 = arith.constant 0 : i32
        %parallel_loop3A_119 = tpu.memref_slice %arg8[%parallel_loop3A_107, %parallel_loop3A_118] : memref<128x64xf32, #tpu.memory_space<vmem>> -> memref<1x64xf32, #tpu.memory_space<vmem>>
        %parallel_loop3A_120 = tpu.memref_squeeze %parallel_loop3A_119 : memref<1x64xf32, #tpu.memory_space<vmem>> -> memref<64xf32, #tpu.memory_space<vmem>>
        %parallel_loop3A_121 = arith.constant 32 : index
        %parallel_loop3A_122 = tpu.vector_load %parallel_loop3A_120[%parallel_loop3A_121] {strides = array<i32>} : memref<64xf32, #tpu.memory_space<vmem>>, vector<16xf32>,
        %parallel_loop3A_123 = arith.constant 0 : i32
        %parallel_loop3A_124 = tpu.memref_slice %arg8[%parallel_loop3A_107, %parallel_loop3A_123] : memref<128x64xf32, #tpu.memory_space<vmem>> -> memref<1x64xf32, #tpu.memory_space<vmem>>
        %parallel_loop3A_125 = tpu.memref_squeeze %parallel_loop3A_124 : memref<1x64xf32, #tpu.memory_space<vmem>> -> memref<64xf32, #tpu.memory_space<vmem>>
        %parallel_loop3A_126 = arith.constant 48 : index
        %parallel_loop3A_127 = tpu.vector_load %parallel_loop3A_125[%parallel_loop3A_126] {strides = array<i32>} : memref<64xf32, #tpu.memory_space<vmem>>, vector<16xf32>,
        %parallel_loop3A_128 = arith.addf %parallel_loop3A_112, %parallel_loop3A_117 : vector<16xf32>
        %parallel_loop3A_129 = arith.addf %parallel_loop3A_122, %parallel_loop3A_127 : vector<16xf32>
        %parallel_loop3A_130 = arith.addf %parallel_loop3A_128, %parallel_loop3A_129 : vector<16xf32>
        %parallel_loop3A_131 = arith.mulf %parallel_loop3A_112, %parallel_loop3A_112 : vector<16xf32>
        %parallel_loop3A_132 = arith.mulf %parallel_loop3A_117, %parallel_loop3A_117 : vector<16xf32>
        %parallel_loop3A_133 = arith.addf %parallel_loop3A_131, %parallel_loop3A_132 : vector<16xf32>
        %parallel_loop3A_134 = arith.mulf %parallel_loop3A_122, %parallel_loop3A_122 : vector<16xf32>
        %parallel_loop3A_135 = arith.mulf %parallel_loop3A_127, %parallel_loop3A_127 : vector<16xf32>
        %parallel_loop3A_136 = arith.addf %parallel_loop3A_134, %parallel_loop3A_135 : vector<16xf32>
        %parallel_loop3A_137 = arith.addf %parallel_loop3A_133, %parallel_loop3A_136 : vector<16xf32>
        %parallel_loop3A_138 = arith.constant true
        %parallel_loop3A_139 = vector.broadcast %parallel_loop3A_138 : i1 to vector<16xi1>
        %parallel_loop3A_140 = tpu.scan <sum>, %parallel_loop3A_130 masked %parallel_loop3A_139 : vector<16xf32>, vector<16xi1> -> vector<16xf32>
        %parallel_loop3A_141 = vector.extract %parallel_loop3A_140[15] : f32 from vector<16xf32>
        %parallel_loop3A_142 = arith.constant true
        %parallel_loop3A_143 = vector.broadcast %parallel_loop3A_142 : i1 to vector<16xi1>
        %parallel_loop3A_144 = tpu.scan <sum>, %parallel_loop3A_137 masked %parallel_loop3A_143 : vector<16xf32>, vector<16xi1> -> vector<16xf32>
        %parallel_loop3A_145 = vector.extract %parallel_loop3A_144[15] : f32 from vector<16xf32>
        %parallel_loop3A_146 = arith.constant 1.562500e-02 : f32
        %parallel_loop3A_147 = arith.mulf %parallel_loop3A_141, %parallel_loop3A_146 : f32
        %parallel_loop3A_148 = arith.constant 1.562500e-02 : f32
        %parallel_loop3A_149 = arith.mulf %parallel_loop3A_145, %parallel_loop3A_148 : f32
        %parallel_loop3A_150 = arith.mulf %parallel_loop3A_147, %parallel_loop3A_147 : f32
        %parallel_loop3A_151 = arith.subf %parallel_loop3A_149, %parallel_loop3A_150 : f32
        %parallel_loop3A_152 = arith.constant 1.562500e-07 : f32
        %parallel_loop3A_153 = arith.addf %parallel_loop3A_151, %parallel_loop3A_152 : f32
        %parallel_loop3A_154 = arith.bitcast %parallel_loop3A_153 : f32 to i32
        %parallel_loop3A_155 = arith.constant 1 : i32
        %parallel_loop3A_156 = arith.shrui %parallel_loop3A_154, %parallel_loop3A_155 : i32
        %parallel_loop3A_157 = arith.constant 1597463007 : i32
        %parallel_loop3A_158 = arith.subi %parallel_loop3A_157, %parallel_loop3A_156 : i32
        %parallel_loop3A_159 = arith.bitcast %parallel_loop3A_158 : i32 to f32
        %parallel_loop3A_160 = arith.constant 5.000000e-01 : f32
        %parallel_loop3A_161 = arith.mulf %parallel_loop3A_160, %parallel_loop3A_153 : f32
        %parallel_loop3A_162 = arith.mulf %parallel_loop3A_161, %parallel_loop3A_159 : f32
        %parallel_loop3A_163 = arith.mulf %parallel_loop3A_162, %parallel_loop3A_159 : f32
        %parallel_loop3A_164 = arith.constant 1.500000e+00 : f32
        %parallel_loop3A_165 = arith.subf %parallel_loop3A_164, %parallel_loop3A_163 : f32
        %parallel_loop3A_166 = arith.mulf %parallel_loop3A_159, %parallel_loop3A_165 : f32
        %parallel_loop3A_167 = arith.constant 5.000000e-01 : f32
        %parallel_loop3A_168 = arith.mulf %parallel_loop3A_167, %parallel_loop3A_153 : f32
        %parallel_loop3A_169 = arith.mulf %parallel_loop3A_168, %parallel_loop3A_166 : f32
        %parallel_loop3A_170 = arith.mulf %parallel_loop3A_169, %parallel_loop3A_166 : f32
        %parallel_loop3A_171 = arith.constant 1.500000e+00 : f32
        %parallel_loop3A_172 = arith.subf %parallel_loop3A_171, %parallel_loop3A_170 : f32
        %parallel_loop3A_173 = arith.mulf %parallel_loop3A_166, %parallel_loop3A_172 : f32
        %parallel_loop3A_174 = arith.mulf %parallel_loop3A_147, %parallel_loop3A_173 : f32
        %parallel_loop3A_175 = vector.broadcast %parallel_loop3A_173 : f32 to vector<16xf32>
        %parallel_loop3A_176 = arith.mulf %parallel_loop3A_112, %parallel_loop3A_175 : vector<16xf32>
        %parallel_loop3A_177 = vector.broadcast %parallel_loop3A_174 : f32 to vector<16xf32>
        %parallel_loop3A_178 = arith.subf %parallel_loop3A_176, %parallel_loop3A_177 : vector<16xf32>
        %parallel_loop3A_179 = arith.mulf %parallel_loop3A_178, %get3A_5 : vector<16xf32>
        %parallel_loop3A_180 = arith.addf %parallel_loop3A_179, %get3A_13 : vector<16xf32>
        %parallel_loop3A_181 = arith.constant 0 : i32
        %parallel_loop3A_182 = tpu.memref_slice %arg8[%parallel_loop3A_107, %parallel_loop3A_181] : memref<128x64xf32, #tpu.memory_space<vmem>> -> memref<1x64xf32, #tpu.memory_space<vmem>>
        %parallel_loop3A_183 = tpu.memref_squeeze %parallel_loop3A_182 : memref<1x64xf32, #tpu.memory_space<vmem>> -> memref<64xf32, #tpu.memory_space<vmem>>
        %parallel_loop3A_184 = arith.constant 0 : index
        %parallel_loop3A_185 = tpu.vector_load %parallel_loop3A_183[%parallel_loop3A_184] {strides = array<i32>} : memref<64xf32, #tpu.memory_space<vmem>>, vector<16xf32>,
        tpu.vector_store %parallel_loop3A_183[%parallel_loop3A_184], %parallel_loop3A_180 {strides = array<i32>} : memref<64xf32, #tpu.memory_space<vmem>>, vector<16xf32>,
        %parallel_loop3A_186 = vector.broadcast %parallel_loop3A_173 : f32 to vector<16xf32>
        %parallel_loop3A_187 = arith.mulf %parallel_loop3A_117, %parallel_loop3A_186 : vector<16xf32>
        %parallel_loop3A_188 = vector.broadcast %parallel_loop3A_174 : f32 to vector<16xf32>
        %parallel_loop3A_189 = arith.subf %parallel_loop3A_187, %parallel_loop3A_188 : vector<16xf32>
        %parallel_loop3A_190 = arith.mulf %parallel_loop3A_189, %get3A_7 : vector<16xf32>
        %parallel_loop3A_191 = arith.addf %parallel_loop3A_190, %get3A_15 : vector<16xf32>
        %parallel_loop3A_192 = arith.constant 0 : i32
        %parallel_loop3A_193 = tpu.memref_slice %arg8[%parallel_loop3A_107, %parallel_loop3A_192] : memref<128x64xf32, #tpu.memory_space<vmem>> -> memref<1x64xf32, #tpu.memory_space<vmem>>
        %parallel_loop3A_194 = tpu.memref_squeeze %parallel_loop3A_193 : memref<1x64xf32, #tpu.memory_space<vmem>> -> memref<64xf32, #tpu.memory_space<vmem>>
        %parallel_loop3A_195 = arith.constant 16 : index
        %parallel_loop3A_196 = tpu.vector_load %parallel_loop3A_194[%parallel_loop3A_195] {strides = array<i32>} : memref<64xf32, #tpu.memory_space<vmem>>, vector<16xf32>,
        tpu.vector_store %parallel_loop3A_194[%parallel_loop3A_195], %parallel_loop3A_191 {strides = array<i32>} : memref<64xf32, #tpu.memory_space<vmem>>, vector<16xf32>,
        %parallel_loop3A_197 = vector.broadcast %parallel_loop3A_173 : f32 to vector<16xf32>
        %parallel_loop3A_198 = arith.mulf %parallel_loop3A_122, %parallel_loop3A_197 : vector<16xf32>
        %parallel_loop3A_199 = vector.broadcast %parallel_loop3A_174 : f32 to vector<16xf32>
        %parallel_loop3A_200 = arith.subf %parallel_loop3A_198, %parallel_loop3A_199 : vector<16xf32>
        %parallel_loop3A_201 = arith.mulf %parallel_loop3A_200, %get3A_9 : vector<16xf32>
        %parallel_loop3A_202 = arith.addf %parallel_loop3A_201, %get3A_17 : vector<16xf32>
        %parallel_loop3A_203 = arith.constant 0 : i32
        %parallel_loop3A_204 = tpu.memref_slice %arg8[%parallel_loop3A_107, %parallel_loop3A_203] : memref<128x64xf32, #tpu.memory_space<vmem>> -> memref<1x64xf32, #tpu.memory_space<vmem>>
        %parallel_loop3A_205 = tpu.memref_squeeze %parallel_loop3A_204 : memref<1x64xf32, #tpu.memory_space<vmem>> -> memref<64xf32, #tpu.memory_space<vmem>>
        %parallel_loop3A_206 = arith.constant 32 : index
        %parallel_loop3A_207 = tpu.vector_load %parallel_loop3A_205[%parallel_loop3A_206] {strides = array<i32>} : memref<64xf32, #tpu.memory_space<vmem>>, vector<16xf32>,
        tpu.vector_store %parallel_loop3A_205[%parallel_loop3A_206], %parallel_loop3A_202 {strides = array<i32>} : memref<64xf32, #tpu.memory_space<vmem>>, vector<16xf32>,
        %parallel_loop3A_208 = vector.broadcast %parallel_loop3A_173 : f32 to vector<16xf32>
        %parallel_loop3A_209 = arith.mulf %parallel_loop3A_127, %parallel_loop3A_208 : vector<16xf32>
        %parallel_loop3A_210 = vector.broadcast %parallel_loop3A_174 : f32 to vector<16xf32>
        %parallel_loop3A_211 = arith.subf %parallel_loop3A_209, %parallel_loop3A_210 : vector<16xf32>
        %parallel_loop3A_212 = arith.mulf %parallel_loop3A_211, %get3A_11 : vector<16xf32>
        %parallel_loop3A_213 = arith.addf %parallel_loop3A_212, %get3A_19 : vector<16xf32>
        %parallel_loop3A_214 = arith.constant 0 : i32
        %parallel_loop3A_215 = tpu.memref_slice %arg8[%parallel_loop3A_107, %parallel_loop3A_214] : memref<128x64xf32, #tpu.memory_space<vmem>> -> memref<1x64xf32, #tpu.memory_space<vmem>>
        %parallel_loop3A_216 = tpu.memref_squeeze %parallel_loop3A_215 : memref<1x64xf32, #tpu.memory_space<vmem>> -> memref<64xf32, #tpu.memory_space<vmem>>
        %parallel_loop3A_217 = arith.constant 48 : index
        %parallel_loop3A_218 = tpu.vector_load %parallel_loop3A_216[%parallel_loop3A_217] {strides = array<i32>} : memref<64xf32, #tpu.memory_space<vmem>>, vector<16xf32>,
        tpu.vector_store %parallel_loop3A_216[%parallel_loop3A_217], %parallel_loop3A_213 {strides = array<i32>} : memref<64xf32, #tpu.memory_space<vmem>>, vector<16xf32>,
      } {sc.loop_unroll_factor = 2 : i64, sc.parallel_access}
      %add3A_64 = arith.addi %mul3A_2, %add3A_44 : i32
      %mul3A_65 = arith.constant 128 : i32
      %mul3A_66 = arith.muli %add3A_64, %mul3A_65 : i32
      %dma_start3A_67 = arith.constant 0 : i32
      %dma_start3A_68 = tpu.memref_slice %arg6[%mul3A_66, %dma_start3A_67] : memref<204800x64xf32, #tpu.memory_space<hbm>> -> memref<128x64xf32, #tpu.memory_space<hbm>>
      %dma_start3A_69 = arith.constant 0 : i32
      %dma_start3A_70 = tpu.memref_slice %arg6[%mul3A_66, %dma_start3A_69] : memref<204800x64xf32, #tpu.memory_space<hbm>> -> memref<128x64xf32, #tpu.memory_space<hbm>>
      tpu.enqueue_dma source(%arg8 : memref<128x64xf32, #tpu.memory_space<vmem>>) target(%dma_start3A_70 : memref<128x64xf32, #tpu.memory_space<hbm>>) target_semaphore(%arg14 : memref<!tpu.dma_semaphore, #tpu.memory_space<semaphore_mem>>)
      %mul3A_71 = arith.constant 2 : i32
      %mul3A_72 = arith.muli %mul3A_71, %scan3A_40 : i32
      %add3A_73 = arith.constant 1 : i32
      %add3A_74 = arith.addi %mul3A_72, %add3A_73 : i32
      %ge3A_75 = arith.constant 1 : i32
      %ge3A_76 = arith.cmpi sge, %add3A_74, %ge3A_75 : i32
      %add3A_77 = arith.constant 1 : i32
      %add3A_78 = arith.addi %add3A_74, %add3A_77 : i32
      %lt3A_79 = arith.constant 50 : i32
      %lt3A_80 = arith.cmpi slt, %add3A_78, %lt3A_79 : i32
      %and3A_81 = arith.andi %ge3A_76, %lt3A_80 : i1
      %convert_element_type3A_82 = arith.extui %and3A_81 : i1 to i32
      %cond3A_83 = arith.constant 0 : i32
      %cond3A_84 = arith.cmpi ne, %convert_element_type3A_82, %cond3A_83 : i32
      scf.if %cond3A_84 {
        %dma_wait3A_107 = arith.constant 0 : i32
        %dma_wait3A_108 = arith.constant 0 : i32
        %dma_wait3A_109 = tpu.memref_slice %arg6[%dma_wait3A_107, %dma_wait3A_108] : memref<204800x64xf32, #tpu.memory_space<hbm>> -> memref<128x64xf32, #tpu.memory_space<hbm>>
        %dma_wait3A_110 = arith.constant 0 : i32
        %dma_wait3A_111 = arith.constant 0 : i32
        %dma_wait3A_112 = tpu.memref_slice %arg6[%dma_wait3A_110, %dma_wait3A_111] : memref<204800x64xf32, #tpu.memory_space<hbm>> -> memref<128x64xf32, #tpu.memory_space<hbm>>
        tpu.wait_dma2 semaphore(%arg14 : memref<!tpu.dma_semaphore, #tpu.memory_space<semaphore_mem>>) src(%arg8 : memref<128x64xf32, #tpu.memory_space<vmem>>) dst(%dma_wait3A_112 : memref<128x64xf32, #tpu.memory_space<hbm>>)
      } else {
      }
      %add3A_85 = arith.constant 1 : i32
      %add3A_86 = arith.addi %add3A_74, %add3A_85 : i32
      %lt3A_87 = arith.constant 50 : i32
      %lt3A_88 = arith.cmpi slt, %add3A_86, %lt3A_87 : i32
      %convert_element_type3A_89 = arith.extui %lt3A_88 : i1 to i32
      %cond3A_90 = arith.constant 0 : i32
      %cond3A_91 = arith.cmpi ne, %convert_element_type3A_89, %cond3A_90 : i32
      scf.if %cond3A_91 {
        %add3A_107 = arith.constant 1 : i32
        %add3A_108 = arith.addi %add3A_74, %add3A_107 : i32
        %mul3A_109 = arith.constant 128 : i32
        %mul3A_110 = arith.muli %add3A_108, %mul3A_109 : i32
        %dma_start3A_111 = tpu.memref_slice %arg7[%mul3A_110] : memref<6400xi32, #tpu.memory_space<vmem>> -> memref<128xi32, #tpu.memory_space<vmem>>
        %dma_start3A_112 = arith.constant 0 : i32
        %dma_start3A_113 = arith.constant 0 : i32
        %dma_start3A_114 = tpu.memref_slice %arg3[%dma_start3A_112, %dma_start3A_113] : memref<1000000x64xf32, #tpu.memory_space<hbm>> -> memref<1000000x64xf32, #tpu.memory_space<hbm>>
        tpu.enqueue_indirect_dma source(%dma_start3A_114 : memref<1000000x64xf32, #tpu.memory_space<hbm>>) target(%arg8 : memref<128x64xf32, #tpu.memory_space<vmem>>) offsets(%dma_start3A_111 : memref<128xi32, #tpu.memory_space<vmem>>) semaphore(%arg12 : memref<!tpu.dma_semaphore, #tpu.memory_space<semaphore_mem>>)
      } else {
      }
      %dma_wait3A_92 = arith.constant 0 : i32
      %dma_wait3A_93 = tpu.memref_slice %arg7[%dma_wait3A_92] : memref<6400xi32, #tpu.memory_space<vmem>> -> memref<128xi32, #tpu.memory_space<vmem>>
      %dma_wait3A_94 = arith.constant 0 : i32
      %dma_wait3A_95 = arith.constant 0 : i32
      %dma_wait3A_96 = tpu.memref_slice %arg3[%dma_wait3A_94, %dma_wait3A_95] : memref<1000000x64xf32, #tpu.memory_space<hbm>> -> memref<1000000x64xf32, #tpu.memory_space<hbm>>
      tpu.wait_indirect_dma semaphore(%arg13 : memref<!tpu.dma_semaphore, #tpu.memory_space<semaphore_mem>>) src(%dma_wait3A_96 : memref<1000000x64xf32, #tpu.memory_space<hbm>>) dst(%arg9 : memref<128x64xf32, #tpu.memory_space<vmem>>)
      %parallel_loop3A_97 = arith.constant 0 : i32
      %parallel_loop3A_98 = arith.constant 128 : i32
      %parallel_loop3A_99 = arith.constant 1 : i32
      scf.for %parallel_loop3A_107 = %parallel_loop3A_97 to %parallel_loop3A_98 step %parallel_loop3A_99  : i32 {
        %parallel_loop3A_108 = arith.constant 0 : i32
        %parallel_loop3A_109 = tpu.memref_slice %arg9[%parallel_loop3A_107, %parallel_loop3A_108] : memref<128x64xf32, #tpu.memory_space<vmem>> -> memref<1x64xf32, #tpu.memory_space<vmem>>
        %parallel_loop3A_110 = tpu.memref_squeeze %parallel_loop3A_109 : memref<1x64xf32, #tpu.memory_space<vmem>> -> memref<64xf32, #tpu.memory_space<vmem>>
        %parallel_loop3A_111 = arith.constant 0 : index
        %parallel_loop3A_112 = tpu.vector_load %parallel_loop3A_110[%parallel_loop3A_111] {strides = array<i32>} : memref<64xf32, #tpu.memory_space<vmem>>, vector<16xf32>,
        %parallel_loop3A_113 = arith.constant 0 : i32
        %parallel_loop3A_114 = tpu.memref_slice %arg9[%parallel_loop3A_107, %parallel_loop3A_113] : memref<128x64xf32, #tpu.memory_space<vmem>> -> memref<1x64xf32, #tpu.memory_space<vmem>>
        %parallel_loop3A_115 = tpu.memref_squeeze %parallel_loop3A_114 : memref<1x64xf32, #tpu.memory_space<vmem>> -> memref<64xf32, #tpu.memory_space<vmem>>
        %parallel_loop3A_116 = arith.constant 16 : index
        %parallel_loop3A_117 = tpu.vector_load %parallel_loop3A_115[%parallel_loop3A_116] {strides = array<i32>} : memref<64xf32, #tpu.memory_space<vmem>>, vector<16xf32>,
        %parallel_loop3A_118 = arith.constant 0 : i32
        %parallel_loop3A_119 = tpu.memref_slice %arg9[%parallel_loop3A_107, %parallel_loop3A_118] : memref<128x64xf32, #tpu.memory_space<vmem>> -> memref<1x64xf32, #tpu.memory_space<vmem>>
        %parallel_loop3A_120 = tpu.memref_squeeze %parallel_loop3A_119 : memref<1x64xf32, #tpu.memory_space<vmem>> -> memref<64xf32, #tpu.memory_space<vmem>>
        %parallel_loop3A_121 = arith.constant 32 : index
        %parallel_loop3A_122 = tpu.vector_load %parallel_loop3A_120[%parallel_loop3A_121] {strides = array<i32>} : memref<64xf32, #tpu.memory_space<vmem>>, vector<16xf32>,
        %parallel_loop3A_123 = arith.constant 0 : i32
        %parallel_loop3A_124 = tpu.memref_slice %arg9[%parallel_loop3A_107, %parallel_loop3A_123] : memref<128x64xf32, #tpu.memory_space<vmem>> -> memref<1x64xf32, #tpu.memory_space<vmem>>
        %parallel_loop3A_125 = tpu.memref_squeeze %parallel_loop3A_124 : memref<1x64xf32, #tpu.memory_space<vmem>> -> memref<64xf32, #tpu.memory_space<vmem>>
        %parallel_loop3A_126 = arith.constant 48 : index
        %parallel_loop3A_127 = tpu.vector_load %parallel_loop3A_125[%parallel_loop3A_126] {strides = array<i32>} : memref<64xf32, #tpu.memory_space<vmem>>, vector<16xf32>,
        %parallel_loop3A_128 = arith.addf %parallel_loop3A_112, %parallel_loop3A_117 : vector<16xf32>
        %parallel_loop3A_129 = arith.addf %parallel_loop3A_122, %parallel_loop3A_127 : vector<16xf32>
        %parallel_loop3A_130 = arith.addf %parallel_loop3A_128, %parallel_loop3A_129 : vector<16xf32>
        %parallel_loop3A_131 = arith.mulf %parallel_loop3A_112, %parallel_loop3A_112 : vector<16xf32>
        %parallel_loop3A_132 = arith.mulf %parallel_loop3A_117, %parallel_loop3A_117 : vector<16xf32>
        %parallel_loop3A_133 = arith.addf %parallel_loop3A_131, %parallel_loop3A_132 : vector<16xf32>
        %parallel_loop3A_134 = arith.mulf %parallel_loop3A_122, %parallel_loop3A_122 : vector<16xf32>
        %parallel_loop3A_135 = arith.mulf %parallel_loop3A_127, %parallel_loop3A_127 : vector<16xf32>
        %parallel_loop3A_136 = arith.addf %parallel_loop3A_134, %parallel_loop3A_135 : vector<16xf32>
        %parallel_loop3A_137 = arith.addf %parallel_loop3A_133, %parallel_loop3A_136 : vector<16xf32>
        %parallel_loop3A_138 = arith.constant true
        %parallel_loop3A_139 = vector.broadcast %parallel_loop3A_138 : i1 to vector<16xi1>
        %parallel_loop3A_140 = tpu.scan <sum>, %parallel_loop3A_130 masked %parallel_loop3A_139 : vector<16xf32>, vector<16xi1> -> vector<16xf32>
        %parallel_loop3A_141 = vector.extract %parallel_loop3A_140[15] : f32 from vector<16xf32>
        %parallel_loop3A_142 = arith.constant true
        %parallel_loop3A_143 = vector.broadcast %parallel_loop3A_142 : i1 to vector<16xi1>
        %parallel_loop3A_144 = tpu.scan <sum>, %parallel_loop3A_137 masked %parallel_loop3A_143 : vector<16xf32>, vector<16xi1> -> vector<16xf32>
        %parallel_loop3A_145 = vector.extract %parallel_loop3A_144[15] : f32 from vector<16xf32>
        %parallel_loop3A_146 = arith.constant 1.562500e-02 : f32
        %parallel_loop3A_147 = arith.mulf %parallel_loop3A_141, %parallel_loop3A_146 : f32
        %parallel_loop3A_148 = arith.constant 1.562500e-02 : f32
        %parallel_loop3A_149 = arith.mulf %parallel_loop3A_145, %parallel_loop3A_148 : f32
        %parallel_loop3A_150 = arith.mulf %parallel_loop3A_147, %parallel_loop3A_147 : f32
        %parallel_loop3A_151 = arith.subf %parallel_loop3A_149, %parallel_loop3A_150 : f32
        %parallel_loop3A_152 = arith.constant 1.562500e-07 : f32
        %parallel_loop3A_153 = arith.addf %parallel_loop3A_151, %parallel_loop3A_152 : f32
        %parallel_loop3A_154 = arith.bitcast %parallel_loop3A_153 : f32 to i32
        %parallel_loop3A_155 = arith.constant 1 : i32
        %parallel_loop3A_156 = arith.shrui %parallel_loop3A_154, %parallel_loop3A_155 : i32
        %parallel_loop3A_157 = arith.constant 1597463007 : i32
        %parallel_loop3A_158 = arith.subi %parallel_loop3A_157, %parallel_loop3A_156 : i32
        %parallel_loop3A_159 = arith.bitcast %parallel_loop3A_158 : i32 to f32
        %parallel_loop3A_160 = arith.constant 5.000000e-01 : f32
        %parallel_loop3A_161 = arith.mulf %parallel_loop3A_160, %parallel_loop3A_153 : f32
        %parallel_loop3A_162 = arith.mulf %parallel_loop3A_161, %parallel_loop3A_159 : f32
        %parallel_loop3A_163 = arith.mulf %parallel_loop3A_162, %parallel_loop3A_159 : f32
        %parallel_loop3A_164 = arith.constant 1.500000e+00 : f32
        %parallel_loop3A_165 = arith.subf %parallel_loop3A_164, %parallel_loop3A_163 : f32
        %parallel_loop3A_166 = arith.mulf %parallel_loop3A_159, %parallel_loop3A_165 : f32
        %parallel_loop3A_167 = arith.constant 5.000000e-01 : f32
        %parallel_loop3A_168 = arith.mulf %parallel_loop3A_167, %parallel_loop3A_153 : f32
        %parallel_loop3A_169 = arith.mulf %parallel_loop3A_168, %parallel_loop3A_166 : f32
        %parallel_loop3A_170 = arith.mulf %parallel_loop3A_169, %parallel_loop3A_166 : f32
        %parallel_loop3A_171 = arith.constant 1.500000e+00 : f32
        %parallel_loop3A_172 = arith.subf %parallel_loop3A_171, %parallel_loop3A_170 : f32
        %parallel_loop3A_173 = arith.mulf %parallel_loop3A_166, %parallel_loop3A_172 : f32
        %parallel_loop3A_174 = arith.mulf %parallel_loop3A_147, %parallel_loop3A_173 : f32
        %parallel_loop3A_175 = vector.broadcast %parallel_loop3A_173 : f32 to vector<16xf32>
        %parallel_loop3A_176 = arith.mulf %parallel_loop3A_112, %parallel_loop3A_175 : vector<16xf32>
        %parallel_loop3A_177 = vector.broadcast %parallel_loop3A_174 : f32 to vector<16xf32>
        %parallel_loop3A_178 = arith.subf %parallel_loop3A_176, %parallel_loop3A_177 : vector<16xf32>
        %parallel_loop3A_179 = arith.mulf %parallel_loop3A_178, %get3A_5 : vector<16xf32>
        %parallel_loop3A_180 = arith.addf %parallel_loop3A_179, %get3A_13 : vector<16xf32>
        %parallel_loop3A_181 = arith.constant 0 : i32
        %parallel_loop3A_182 = tpu.memref_slice %arg9[%parallel_loop3A_107, %parallel_loop3A_181] : memref<128x64xf32, #tpu.memory_space<vmem>> -> memref<1x64xf32, #tpu.memory_space<vmem>>
        %parallel_loop3A_183 = tpu.memref_squeeze %parallel_loop3A_182 : memref<1x64xf32, #tpu.memory_space<vmem>> -> memref<64xf32, #tpu.memory_space<vmem>>
        %parallel_loop3A_184 = arith.constant 0 : index
        %parallel_loop3A_185 = tpu.vector_load %parallel_loop3A_183[%parallel_loop3A_184] {strides = array<i32>} : memref<64xf32, #tpu.memory_space<vmem>>, vector<16xf32>,
        tpu.vector_store %parallel_loop3A_183[%parallel_loop3A_184], %parallel_loop3A_180 {strides = array<i32>} : memref<64xf32, #tpu.memory_space<vmem>>, vector<16xf32>,
        %parallel_loop3A_186 = vector.broadcast %parallel_loop3A_173 : f32 to vector<16xf32>
        %parallel_loop3A_187 = arith.mulf %parallel_loop3A_117, %parallel_loop3A_186 : vector<16xf32>
        %parallel_loop3A_188 = vector.broadcast %parallel_loop3A_174 : f32 to vector<16xf32>
        %parallel_loop3A_189 = arith.subf %parallel_loop3A_187, %parallel_loop3A_188 : vector<16xf32>
        %parallel_loop3A_190 = arith.mulf %parallel_loop3A_189, %get3A_7 : vector<16xf32>
        %parallel_loop3A_191 = arith.addf %parallel_loop3A_190, %get3A_15 : vector<16xf32>
        %parallel_loop3A_192 = arith.constant 0 : i32
        %parallel_loop3A_193 = tpu.memref_slice %arg9[%parallel_loop3A_107, %parallel_loop3A_192] : memref<128x64xf32, #tpu.memory_space<vmem>> -> memref<1x64xf32, #tpu.memory_space<vmem>>
        %parallel_loop3A_194 = tpu.memref_squeeze %parallel_loop3A_193 : memref<1x64xf32, #tpu.memory_space<vmem>> -> memref<64xf32, #tpu.memory_space<vmem>>
        %parallel_loop3A_195 = arith.constant 16 : index
        %parallel_loop3A_196 = tpu.vector_load %parallel_loop3A_194[%parallel_loop3A_195] {strides = array<i32>} : memref<64xf32, #tpu.memory_space<vmem>>, vector<16xf32>,
        tpu.vector_store %parallel_loop3A_194[%parallel_loop3A_195], %parallel_loop3A_191 {strides = array<i32>} : memref<64xf32, #tpu.memory_space<vmem>>, vector<16xf32>,
        %parallel_loop3A_197 = vector.broadcast %parallel_loop3A_173 : f32 to vector<16xf32>
        %parallel_loop3A_198 = arith.mulf %parallel_loop3A_122, %parallel_loop3A_197 : vector<16xf32>
        %parallel_loop3A_199 = vector.broadcast %parallel_loop3A_174 : f32 to vector<16xf32>
        %parallel_loop3A_200 = arith.subf %parallel_loop3A_198, %parallel_loop3A_199 : vector<16xf32>
        %parallel_loop3A_201 = arith.mulf %parallel_loop3A_200, %get3A_9 : vector<16xf32>
        %parallel_loop3A_202 = arith.addf %parallel_loop3A_201, %get3A_17 : vector<16xf32>
        %parallel_loop3A_203 = arith.constant 0 : i32
        %parallel_loop3A_204 = tpu.memref_slice %arg9[%parallel_loop3A_107, %parallel_loop3A_203] : memref<128x64xf32, #tpu.memory_space<vmem>> -> memref<1x64xf32, #tpu.memory_space<vmem>>
        %parallel_loop3A_205 = tpu.memref_squeeze %parallel_loop3A_204 : memref<1x64xf32, #tpu.memory_space<vmem>> -> memref<64xf32, #tpu.memory_space<vmem>>
        %parallel_loop3A_206 = arith.constant 32 : index
        %parallel_loop3A_207 = tpu.vector_load %parallel_loop3A_205[%parallel_loop3A_206] {strides = array<i32>} : memref<64xf32, #tpu.memory_space<vmem>>, vector<16xf32>,
        tpu.vector_store %parallel_loop3A_205[%parallel_loop3A_206], %parallel_loop3A_202 {strides = array<i32>} : memref<64xf32, #tpu.memory_space<vmem>>, vector<16xf32>,
        %parallel_loop3A_208 = vector.broadcast %parallel_loop3A_173 : f32 to vector<16xf32>
        %parallel_loop3A_209 = arith.mulf %parallel_loop3A_127, %parallel_loop3A_208 : vector<16xf32>
        %parallel_loop3A_210 = vector.broadcast %parallel_loop3A_174 : f32 to vector<16xf32>
        %parallel_loop3A_211 = arith.subf %parallel_loop3A_209, %parallel_loop3A_210 : vector<16xf32>
        %parallel_loop3A_212 = arith.mulf %parallel_loop3A_211, %get3A_11 : vector<16xf32>
        %parallel_loop3A_213 = arith.addf %parallel_loop3A_212, %get3A_19 : vector<16xf32>
        %parallel_loop3A_214 = arith.constant 0 : i32
        %parallel_loop3A_215 = tpu.memref_slice %arg9[%parallel_loop3A_107, %parallel_loop3A_214] : memref<128x64xf32, #tpu.memory_space<vmem>> -> memref<1x64xf32, #tpu.memory_space<vmem>>
        %parallel_loop3A_216 = tpu.memref_squeeze %parallel_loop3A_215 : memref<1x64xf32, #tpu.memory_space<vmem>> -> memref<64xf32, #tpu.memory_space<vmem>>
        %parallel_loop3A_217 = arith.constant 48 : index
        %parallel_loop3A_218 = tpu.vector_load %parallel_loop3A_216[%parallel_loop3A_217] {strides = array<i32>} : memref<64xf32, #tpu.memory_space<vmem>>, vector<16xf32>,
        tpu.vector_store %parallel_loop3A_216[%parallel_loop3A_217], %parallel_loop3A_213 {strides = array<i32>} : memref<64xf32, #tpu.memory_space<vmem>>, vector<16xf32>,
      } {sc.loop_unroll_factor = 2 : i64, sc.parallel_access}
      %add3A_100 = arith.addi %mul3A_2, %add3A_74 : i32
      %mul3A_101 = arith.constant 128 : i32
      %mul3A_102 = arith.muli %add3A_100, %mul3A_101 : i32
      %dma_start3A_103 = arith.constant 0 : i32
      %dma_start3A_104 = tpu.memref_slice %arg6[%mul3A_102, %dma_start3A_103] : memref<204800x64xf32, #tpu.memory_space<hbm>> -> memref<128x64xf32, #tpu.memory_space<hbm>>
      %dma_start3A_105 = arith.constant 0 : i32
      %dma_start3A_106 = tpu.memref_slice %arg6[%mul3A_102, %dma_start3A_105] : memref<204800x64xf32, #tpu.memory_space<hbm>> -> memref<128x64xf32, #tpu.memory_space<hbm>>
      tpu.enqueue_dma source(%arg9 : memref<128x64xf32, #tpu.memory_space<vmem>>) target(%dma_start3A_106 : memref<128x64xf32, #tpu.memory_space<hbm>>) target_semaphore(%arg15 : memref<!tpu.dma_semaphore, #tpu.memory_space<semaphore_mem>>)
    }
    %scan3A_28 = arith.constant 25 : i32
    %dma_wait3A = arith.constant 0 : i32
    %dma_wait3A_29 = arith.constant 0 : i32
    %dma_wait3A_30 = tpu.memref_slice %arg6[%dma_wait3A, %dma_wait3A_29] : memref<204800x64xf32, #tpu.memory_space<hbm>> -> memref<128x64xf32, #tpu.memory_space<hbm>>
    %dma_wait3A_31 = arith.constant 0 : i32
    %dma_wait3A_32 = arith.constant 0 : i32
    %dma_wait3A_33 = tpu.memref_slice %arg6[%dma_wait3A_31, %dma_wait3A_32] : memref<204800x64xf32, #tpu.memory_space<hbm>> -> memref<128x64xf32, #tpu.memory_space<hbm>>
    tpu.wait_dma2 semaphore(%arg14 : memref<!tpu.dma_semaphore, #tpu.memory_space<semaphore_mem>>) src(%arg8 : memref<128x64xf32, #tpu.memory_space<vmem>>) dst(%dma_wait3A_33 : memref<128x64xf32, #tpu.memory_space<hbm>>)
    %dma_wait3A_34 = arith.constant 0 : i32
    %dma_wait3A_35 = arith.constant 0 : i32
    %dma_wait3A_36 = tpu.memref_slice %arg6[%dma_wait3A_34, %dma_wait3A_35] : memref<204800x64xf32, #tpu.memory_space<hbm>> -> memref<128x64xf32, #tpu.memory_space<hbm>>
    %dma_wait3A_37 = arith.constant 0 : i32
    %dma_wait3A_38 = arith.constant 0 : i32
    %dma_wait3A_39 = tpu.memref_slice %arg6[%dma_wait3A_37, %dma_wait3A_38] : memref<204800x64xf32, #tpu.memory_space<hbm>> -> memref<128x64xf32, #tpu.memory_space<hbm>>
    tpu.wait_dma2 semaphore(%arg15 : memref<!tpu.dma_semaphore, #tpu.memory_space<semaphore_mem>>) src(%arg9 : memref<128x64xf32, #tpu.memory_space<vmem>>) dst(%dma_wait3A_39 : memref<128x64xf32, #tpu.memory_space<hbm>>)
    return
  }
}

</mosaic_0001>

<sc_bundles>
// kernel: _sc_embed_ln.3.cloned.1.call-start
scs
__scs_entry_jumppad:
0x0: {  	(pc) =	sbr.rel $0x88, $3  }
0x1: {  	(tag) =	ssettag $0x0;
	lr =	simm.s32 $0x1  }
0x2: {  	[smem:$0x3F9D] =	sst lr;
	_ =	strace $0xD0000000  }
0x3: {  	_ = 	snop  }
0x4: {  	_ = 	snop  }
0x5: {  	_ = 	snop  }
0x6: {  	_ = 	snop  }
0x7: {  	_ = 	snop  }
__scs_overlays_trampoline_lowered:
0x8: {  	[smem:$0x3FAC] =	sst s0  }
0x9: {  	[smem:$0x3FAD] =	sst s1  }
0xa: {  	[smem:$0x3FAE] =	sst s2  }
0xb: {  	[smem:$0x3FAF] =	sst s3  }
0xc: {  	[smem:$0x3FB0] =	sst s4  }
0xd: {  	[smem:$0x3FB1] =	sst s5  }
0xe: {  	[smem:$0x3FB2] =	sst s6  }
0xf: {  	[smem:$0x3FB3] =	sst s7  }
0x10: {  	[smem:$0x3FB4] =	sst s8  }
0x11: {  	[smem:$0x3FB5] =	sst s9;
	s0 =	simm.s32 @!p0 $0x0  }
0x12: {  	s1 =	sld [smem:$0x3F9B];
	s0 =	simm.s32 @p0 $0x1  }
0x13: {  	[smem:$0x3FB6] =	sst s0;
	s0 =	simm.s32 @!p1 $0x0  }
0x14: {  	s2 =	sld [smem:$0x3F9A];
	s0 =	simm.s32 @p1 $0x1  }
0x15: {  	[smem:$0x3FB7] =	sst s0;
	s0 =	simm.s32 @!p2 $0x0  }
0x16: {  	s3 =	sld [smem:$0x3FDB];
	s0 =	simm.s32 @p2 $0x1  }
0x17: {  	s4 =	simm.s32 $0x1BF5;
	[smem:$0x3FB9] =	sst s0  }
0x18: {  	s0 =	sld [smem:$0x3F9C];
	_ =	swait.ge [sflag:s4], $0x0  }
0x19: {  	s7 =	sld [smem:$0x3F9D]  }
0x1a: {  	s8 =	sadd.s32 $0xFFFFE003, lr  }
0x1b: {  	s9 =	sadd.s32 $0xFFFFFEF7, lr;
	s5 =	simm.s32 $0xFFFFFFFF;
	p2 =	slt.u32 s8, $0xFFFFF086  }
0x1c: {  	p1 =	slt.u32 s9, $0xF7A;
	s5 =	simm.s32 @!p2 $0x0  }
0x1d: {  	s5 =	simm.s32 @p1 $0x1;
	p0 =	seq.s32 s7, s2  }
0x1e: {  	s7 =	smul.u32 @!p0 $0xF7A, s2;
	p2 =	seq.s32 @!p0 s5, $0x0  }
0x1f: {  	s9 =	smul.u32 $0xF7A, s1;
	s8 =	simm.s32 @!p0 $0x1BF5;
	p2 =	por !p2, p0  }
0x20: {  	[sflag:s8] =	ssyncset.s32 @!p0 $0xFFFFF086;
	s6 =	sadd.s32 @!p0 s3, s7;
	s7 =	simm.s32 @!p0 $0x108  }
0x21: {  	s3 =	sadd.s32 s3, s9;
	s6 =	sadd.s32 @!p0 $0x88, s6;
	s7 =	simm.s32 @p2 $0x1082  }
0x22: {  	[simem:s7], [sflag:s8] =	dma.local @!p0 [hbm:s6], $0xF7A  }
0x23: {  	s9 =	sor.u32 $0xD0000000, s2;
	s6 =	simm.s32 $0x108;
	_ =	swait.ge @!p0 [sflag:s8], $0x0  }
0x24: {  	s3 =	sadd.s32 $0x88, s3;
	s6 =	simm.s32 @!p1 $0x1082;
	[sflag:s4] =	ssyncset.s32 $0xFFFFF086  }
0x25: {  	[simem:s6], [sflag:s4] =	dma.local [hbm:s3], $0xF7A  }
0x26: {  	[smem:$0x3F9D] =	sst s1;
	(tag) =	ssettag s2;
	_ =	strace s9  }
0x27: {  	s1 =	sld [smem:$0x3FAD]  }
0x28: {  	s2 =	sld [smem:$0x3FAE]  }
0x29: {  	s4 =	sld [smem:$0x3FB0]  }
0x2a: {  	p0 =	seq.s32 s5, $0x0;
	s5 =	sld [smem:$0x3FB1]  }
0x2b: {  	s6 =	sld [smem:$0x3FB2]  }
0x2c: {  	s7 =	sld [smem:$0x3FB3]  }
0x2d: {  	s3 =	simm.s32 $0x108;
	s8 =	sld [smem:$0x3FB4]  }
0x2e: {  	s3 =	simm.s32 @!p0 $0x1082;
	s9 =	sld [smem:$0x3FB5]  }
0x2f: {  	lr =	sadd.s32 s0, s3;
	s0 =	sld [smem:$0x3FAC]  }
0x30: {  	s3 =	sld [smem:$0x3FAF]  }
0x31: {  	[smem:$0x3FB8] =	sst s10  }
0x32: {  	s10 =	sld [smem:$0x3FB6];
	_ =	sdelay $0x3  }
0x33: {  	p0 =	seq.s32 s10, $0x1;
	s10 =	sld [smem:$0x3FB8];
	_ =	sdelay $0x3  }
0x34: {  	[smem:$0x3FB8] =	sst s10  }
0x35: {  	s10 =	sld [smem:$0x3FB7];
	_ =	sdelay $0x3  }
0x36: {  	p1 =	seq.s32 s10, $0x1;
	s10 =	sld [smem:$0x3FB8];
	_ =	sdelay $0x3  }
0x37: {  	[smem:$0x3FB8] =	sst s10  }
0x38: {  	s10 =	sld [smem:$0x3FB9]  }
0x39: {  	_ = 	snop;
	(pc) =	sbr.ind lr, $3  }
0x3a: {  	_ = 	snop  }
0x3b: {  	_ = 	snop  }
0x3c: {  	p2 =	seq.s32 s10, $0x1;
	s10 =	sld [smem:$0x3FB8]  }
0x3d: {  	_ =	shalt  }
0x3e: {  	_ =	shalt  }
0x3f: {  	_ =	shalt  }
0x40: {  	_ =	shalt  }
0x41: {  	_ =	shalt  }
0x42: {  	_ =	shalt  }
0x43: {  	_ =	shalt  }
0x44: {  	_ =	shalt  }
0x45: {  	_ =	shalt  }
0x46: {  	_ =	shalt  }
0x47: {  	_ =	shalt  }
0x48: {  	_ =	shalt  }
0x49: {  	_ =	shalt  }
0x4a: {  	_ =	shalt  }
0x4b: {  	_ =	shalt  }
0x4c: {  	_ =	shalt  }
0x4d: {  	_ =	shalt  }
0x4e: {  	_ =	shalt  }
0x4f: {  	_ =	shalt  }
0x50: {  	_ =	shalt  }
0x51: {  	_ =	shalt  }
0x52: {  	_ =	shalt  }
0x53: {  	_ =	shalt  }
0x54: {  	_ =	shalt  }
0x55: {  	_ =	shalt  }
0x56: {  	_ =	shalt  }
0x57: {  	_ =	shalt  }
0x58: {  	_ =	shalt  }
0x59: {  	_ =	shalt  }
0x5a: {  	_ =	shalt  }
0x5b: {  	_ =	shalt  }
0x5c: {  	_ =	shalt  }
0x5d: {  	_ =	shalt  }
0x5e: {  	_ =	shalt  }
0x5f: {  	_ =	shalt  }
0x60: {  	_ =	shalt  }
0x61: {  	_ =	shalt  }
0x62: {  	_ =	shalt  }
0x63: {  	_ =	shalt  }
0x64: {  	_ =	shalt  }
0x65: {  	_ =	shalt  }
0x66: {  	_ =	shalt  }
0x67: {  	_ =	shalt  }
0x68: {  	_ =	shalt  }
0x69: {  	_ =	shalt  }
0x6a: {  	_ =	shalt  }
0x6b: {  	_ =	shalt  }
0x6c: {  	_ =	shalt  }
0x6d: {  	_ =	shalt  }
0x6e: {  	_ =	shalt  }
0x6f: {  	_ =	shalt  }
0x70: {  	_ =	shalt  }
0x71: {  	_ =	shalt  }
0x72: {  	_ =	shalt  }
0x73: {  	_ =	shalt  }
0x74: {  	_ =	shalt  }
0x75: {  	_ =	shalt  }
0x76: {  	_ =	shalt  }
0x77: {  	_ =	shalt  }
0x78: {  	_ =	shalt  }
0x79: {  	_ =	shalt  }
0x7a: {  	_ =	shalt  }
0x7b: {  	_ =	shalt  }
0x7c: {  	_ =	shalt  }
0x7d: {  	_ =	shalt  }
0x7e: {  	_ =	shalt  }
0x7f: {  	_ =	shalt  }
0x80: {  	_ =	shalt  }
0x81: {  	_ =	shalt  }
0x82: {  	_ =	shalt  }
0x83: {  	_ =	shalt  }
0x84: {  	_ =	shalt  }
0x85: {  	_ =	shalt  }
0x86: {  	_ =	shalt  }
0x87: {  	_ =	shalt  }
.Lfunc_end0:
.L_simem_size_0:
called_computation.1_lowered:
.L_overlay_start_0:
0x88: {  	s2 =	sld [smem:$0x3FD9]  }
0x89: {  	s3 =	sld [smem:$0x3FFE];
	_ =	sdelay $0x1  }
0x8a: {  	s1 =	srdreg.scid  }
0x8b: {  	s0 =	sand.u32 $0x1, s1  }
0x8c: {  	s17 =	sshll.u32 s0, $0xA;
	s2 =	sadd.s32 s3, s2  }
0x8d: {  	s2 =	sadd.s32 s2, s17  }
0x8e: {  	[smem:$0x3FC4] =	sst s2  }
0x8f: {  	_ = 	snop  }
0x90: {  	s2 =	sld [smem:$0x3FC9]  }
0x91: {  	s18 =	sld [smem:$0x3FC7]  }
0x92: {  	s4 =	sld [smem:$0x3FC6]  }
0x93: {  	s5 =	sld [smem:$0x3FD0];
	(tm) =	ssettm $0x1  }
0x94: {  	s6 =	sld [smem:$0x3FFB];
	_ =	sdelay $0x3  }
0x95: {  	_ =	strace s6  }
0x96: {  	s6 =	sld [smem:$0x3FFC];
	_ =	sdelay $0x3  }
0x97: {  	_ =	strace s6  }
0x98: {  	s6 =	sld [smem:$0x3FFD];
	_ =	sdelay $0x3  }
0x99: {  	_ =	strace s6  }
0x9a: {  	_ =	strace $0x8FFFFFFF  }
0x9b: {  	s19 =	sld [smem:$0x3FDB];
	_ =	sdelay $0x1  }
0x9c: {  	s7 =	simm.s32 $_scs_section_size  }
0x9d: {  	s8 =	simm.s32 $_size__tile_overlayer_lowered;
	s9 =	simm.s32 $_tile_overlayer_lowered  }
0x9e: {  	s22 =	simm.s32 $0x1BFF;
	s21 =	sshll.u32 s9, $0x1;
	s6 =	sadd.s32 s7, s19  }
0x9f: {  	s10 =	simm.s32 $0x0;
	s20 =	sshll.u32 s8, $0x1;
	s8 =	sadd.s32 s21, s6  }
0xa0: {  	[timem:s10], [sflag:s22] =	dma.local [hbm:s8], s20  }
0xa1: {  	_ =	swait.ge [sflag:s22], s20  }
0xa2: {  	s7 =	ssub.s32 $0x0, s20;
	[sflag:s22] =	ssyncset.done $0x0  }
0xa3: {  	[sflag:s22] =	ssyncadd.s32 s7;
	_ =	sdelay $0x1  }
0xa4: {  	s23 =	simm.s32 $0x1B8B  }
0xa5: {  	_ =	swait.ge [sflag:s23], $0x1  }
0xa6: {  	[sflag:s23] =	ssyncset.done $0x0  }
0xa7: {  	s25 =	simm.s32 $0x1B8E;
	s24 =	sld [smem:$0x3FFE];
	[sflag:s23] =	ssyncadd.s32 $0xFFFFFFFF  }
0xa8: {  	s26 =	simm.s32 $execute0_lowered;
	[smem:$0x3FD2] =	sst s25  }
0xa9: {  	s8 =	sshll.u32 s26, $0x1;
	_ =	strace $0x80000046;
	[dreg:$0x1] =	wrdreg $0xFFFFFFFF  }
0xaa: {  	s28 =	simm.s32 $_size_execute0_lowered;
	s6 =	sadd.s32 s6, s8;
	[dreg:$0x0] =	wrdreg $0x0  }
0xab: {  	s8 =	sshll.u32 s28, $0x1;
	[dreg:$0x2] =	wrdreg s6  }
0xac: {  	[dreg:$0x3] =	wrdreg s8  }
0xad: {  	[dreg:$0x4] =	wrdreg $0xC0  }
0xae: {  	_ =	task [dreg:s10], $0x5FFFF  }
0xaf: {  	[dreg:$0x1] =	wrdreg $0xFFFFFFFF  }
0xb0: {  	[dreg:$0x0] =	wrdreg $0x60  }
0xb1: {  	[dreg:$0x2] =	wrdreg s2  }
0xb2: {  	[dreg:$0x3] =	wrdreg s24  }
0xb3: {  	[dreg:$0x4] =	wrdreg s18  }
0xb4: {  	[dreg:$0x5] =	wrdreg s4  }
0xb5: {  	[dreg:$0x6] =	wrdreg s5  }
0xb6: {  	[dreg:$0x7] =	wrdreg $0x9  }
0xb7: {  	_ =	task.clear_ibuf [dreg:s10], $0x8FFFF;
	_ =	strace $0x90000046  }
0xb8: {  	s29 =	simm.s32 $0x9;
	_ =	strace $0x80000048  }
0xb9: {  	_ =	swait.ge [sflag:s29], $0x1  }
0xba: {  	[sflag:s29] =	ssyncadd.s32 $0xFFFFFFFF  }
0xbb: {  	_ =	strace $0x90000048  }
0xbc: {  	_ =	sfence  }
0xbd: {  	s30 =	sld [smem:$0x0];
	_ =	sdelay $0x2  }
0xbe: {  	s31 =	sshll.u32 s1, $0xD;
	s1 =	sshrl.u32 s1, $0x2  }
0xbf: {  	s3 =	sand.u32 $0x4000, s31;
	s1 =	sadd.s32 s1, s30  }
0xc0: {  	s0 =	sor.u32 s3, s0;
	s1 =	sshll.u32 s1, $0x11  }
0xc1: {  	s0 =	sor.u32 s1, s0  }
0xc2: {  	s0 =	sadd.s32 $0x8F2B, s0  }
0xc3: {  	[sflag:s0] =	ssyncadd.remote.s32 $0x1  }
0xc4: {  	_ =	sfence.sel $0xFFFF  }
0xc5: {  	[dreg:$0x0] =	wrdreg $0xFFFFFFFF;
	(pc) =	sbr.abs _section_cstart, $3  }
0xc6: {  	[dreg:$0x1] =	wrdreg $0xFFFFFFFF  }
0xc7: {  	_ =	task.clear_ibuf [dreg:s10], $0x2FFFF;
	_ =	strace $0x9FFFFFFF  }
0xc8: {  	(tm) =	ssettm $0x7FFFFFFF  }
0xc9: {  	_ =	shalt  }
tec
execute0_lowered:
.L_overlay_start_1:
0x0: {  	(tag) =	ssettag $0x1  }
0x1: {  	s0 =	rddreg [dreg:$0x0]  }
0x2: {  	s1 =	rddreg [dreg:$0x1]  }
0x3: {  	s2 =	srdreg.scid;
	s3 =	stileid.u32  }
0x4: {  	s15 =	rddreg [dreg:$0x4];
	s2 =	sand.u32 $0x1, s2;
	s3 =	sshll.u32 s3, $0x1  }
0x5: {  	s5 =	simm.s32 $0x0;
	s16 =	simm.s32 $0x1;
	s3 =	sor.u32 s2, s3  }
0x6: {  	s17 =	simm.s32 $0x2;
	s2 =	ssub.s32 $0x2, s2;
	s8 =	smul.u32 $0x320, s3  }
0x7: {  	[smem:$0x7FF] =	sst s5;
	s6 =	sadd.s32 $0xF42C00, s1;
	s30 =	sshrl.u32 s2, $0x1  }
0x8: {  	_ =	strace $0x80000047;
	s1 =	ssub.s32 s2, s30;
	s0 =	sadd.s32 s0, s8  }
0x9: {  	s7 =	smul.u32 $0x32, s3;
	s31 =	smax.u32 s1, $0x1;
	[dreg:$0x6] =	wrdreg s0  }
0xa: {  	s3 =	simm.s32 $0x3900;
	s2 =	simm.s32 $0x0;
	[dreg:$0x7] =	wrdreg s31  }
.LBB2_1:
0xb: {  	[dreg:$0x8] =	wrdreg s2  }
0xc: {  	s0 =	rddreg [dreg:$0x6];
	s1 =	simm.s32 $0x5  }
0xd: {  	[tilespmem:s5], [sflag:$0x5] =	stream.linear.gather [hbm4b:s0+s5], $0x1900, $0x38;
	[tilespmem:$0x5980] =	vst v63  }
0xe: {  	_ =	swait.ge [sflag:s1], $0x1900  }
0xf: {  	[sflag:s1] =	ssyncset.done $0x0  }
0x10: {  	[sflag:s1] =	ssyncadd.s32 $0xFFFFE700  }
0x11: {  	s26 =	simm.s32 $0x5900;
	s25 =	rddreg [dreg:$0x2]  }
0x12: {  	[tilespmem:s26], [sflag:$0x5] =	stream.linear.gather [hbm4b:s25+s5], $0x40, $0x38;
	[tilespmem:$0x5980] =	vst v63  }
0x13: {  	_ =	swait.ge [sflag:s1], $0x40  }
0x14: {  	[sflag:s1] =	ssyncset.done $0x0  }
0x15: {  	[sflag:s1] =	ssyncadd.s32 $0xFFFFFFC0  }
0x16: {  	s29 =	simm.s32 $0x5940;
	s28 =	rddreg [dreg:$0x3]  }
0x17: {  	[tilespmem:s29], [sflag:$0x5] =	stream.linear.gather [hbm4b:s28+s5], $0x40, $0x38;
	[tilespmem:$0x5980] =	vst v63  }
0x18: {  	_ =	swait.ge [sflag:s1], $0x40  }
0x19: {  	[sflag:s1] =	ssyncset.done $0x0  }
0x1a: {  	[sflag:s1] =	ssyncadd.s32 $0xFFFFFFC0  }
0x1b: {  	v0 =	vld [tilespmem:$0x5900]  }
0x1c: {  	v1 =	vld [tilespmem:$0x5910]  }
0x1d: {  	v2 =	vld [tilespmem:$0x5920]  }
0x1e: {  	v3 =	vld [tilespmem:$0x5930]  }
0x1f: {  	v4 =	vld [tilespmem:$0x5940]  }
0x20: {  	v5 =	vld [tilespmem:$0x5950]  }
0x21: {  	s30 =	simm.s32 $0x80;
	s31 =	simm.s32 $0x1900;
	s21 =	simm.s32 $0x0;
	v6 =	vld [tilespmem:$0x5960]  }
0x22: {  	v7 =	vld [tilespmem:$0x5970];
	[tilespmem:s31], [sflag:$0x1] =	stream.indirect.gather [hbm4b:s6+s30], $0x40, s5, s30, $0xb8  }
.LBB2_2:
0x23: {  	p0 =	seq.s32 s21, $0x0  }
0x24: {  	s0 =	simm.s32 @!p0 $0x4  }
0x25: {  	s22 =	sshllo.u32 s21, $0x1;
	_ =	swait.ge @!p0 [sflag:s0], $0x2000  }
0x26: {  	s1 =	sshll.u32 s22, $0x7;
	[sflag:s0] =	ssyncset.done @!p0 $0x0  }
0x27: {  	s9 =	simm.s32 $0x80;
	s8 =	sand.u32 $0x3FFFFF80, s1;
	[sflag:s0] =	ssyncadd.s32 @!p0 $0xFFFFE000  }
0x28: {  	[tilespmem:s3], [sflag:$0x2] =	stream.indirect.gather [hbm4b:s6+s9], $0x40, s8, s9, $0xb8;
	[tilespmem:$0x5980] =	vst v63  }
0x29: {  	_ =	swait.ge [sflag:s16], $0x2000  }
0x2a: {  	[sflag:s16] =	ssyncset.done $0x0  }
0x2b: {  	s24 =	simm.s32 $0x1940;
	[sflag:s16] =	ssyncadd.s32 $0xFFFFE000  }
0x2c: {  	v27 =	vld [tilespmem:s24+$0x0]  }
0x2d: {  	v24 =	vld [tilespmem:s24+$0x10]  }
0x2e: {  	v26 =	vld [tilespmem:s24+$0x20]  }
0x2f: {  	v38 =	vld [tilespmem:s24+$0x30];
	_ =	sdelay $0x1  }
0x30: {  	v29 =	vld [tilespmem:s24+$0xFFFFFFE0]  }
0x31: {  	v36 =	vld [tilespmem:s24+$0xFFFFFFF0]  }
0x32: {  	v25 =	vld [tilespmem:s24+$0xFFFFFFD0];
	v8 =	vmul.f32 v27, v27;
	v9 =	vmul.f32 v24, v24  }
0x33: {  	v28 =	vld [tilespmem:s24+$0xFFFFFFC0];
	v10 =	vmul.f32 v26, v26;
	v11 =	vmul.f32 v38, v38  }
0x34: {  	v12 =	vadd.f32 v24, v27;
	v13 =	vadd.f32 v38, v26  }
0x35: {  	v8 =	vadd.f32 v9, v8;
	v9 =	vadd.f32 v11, v10  }
0x36: {  	v14 =	vadd.f32 v36, v29;
	v11 =	vadd.f32 v13, v12  }
0x37: {  	v12 =	vmul.f32 v29, v29;
	v13 =	vmul.f32 v36, v36;
	v8 =	vadd.f32 v9, v8  }
0x38: {  	v15 =	vmul.f32 v28, v28;
	v10 =	vmul.f32 v25, v25;
	v9 =	vadd.f32 v25, v28;
	(xrf2) =	vadd.scan.msk.f32 $0xffff, v11  }
0x39: {  	v11 =	vadd.f32 v13, v12;
	(xrf2) =	vadd.scan.msk.f32 $0xffff, v8  }
0x3a: {  	v8 =	vadd.f32 v14, v9;
	v9 =	vadd.f32 v10, v15;
	_ =	sdelay $0x1  }
0x3b: {  	v9 =	vadd.f32 v11, v9  }
0x3c: {  	(xrf2) =	vadd.scan.msk.f32 $0xffff, v8  }
0x3d: {  	s23 =	simm.s32 $0x19C0;
	(xrf2) =	vadd.scan.msk.f32 $0xffff, v9  }
0x3e: {  	v31 =	vld [tilespmem:s23+$0x0]  }
0x3f: {  	v37 =	vld [tilespmem:s23+$0x10]  }
0x40: {  	v30 =	vld [tilespmem:s23+$0x20]  }
0x41: {  	v39 =	vld [tilespmem:s23+$0x30];
	v8, _, _ =	vpop (xrf2)  }
0x42: {  	(v2sf) =	vpush v8, $0xF;
	v8, _, _ =	vpop (xrf2)  }
0x43: {  	v33 =	vld [tilespmem:s23+$0xFFFFFFE0];
	(v2sf) =	vpush v8, $0xF  }
0x44: {  	v35 =	vld [tilespmem:s23+$0xFFFFFFC0]  }
0x45: {  	v32 =	vld [tilespmem:s23+$0xFFFFFFF0];
	v12 =	vmul.f32 v30, v30  }
0x46: {  	v34 =	vld [tilespmem:s23+$0xFFFFFFD0];
	v13 =	vmul.f32 v39, v39;
	v10 =	vadd.f32 v37, v31;
	v14 =	vadd.f32 v39, v30;
	v8, _, _ =	vpop (xrf2)  }
0x47: {  	v9 =	vmul.f32 v37, v37;
	(v2sf) =	vpush v8, $0xF;
	v8 =	vmul.f32 v31, v31;
	v11, _, _ =	vpop (xrf2)  }
0x48: {  	v10 =	vadd.f32 v14, v10;
	(v2sf) =	vpush v11, $0xF  }
0x49: {  	v15 =	vmul.f32 v35, v35;
	v8 =	vadd.f32 v9, v8;
	v9 =	vadd.f32 v13, v12  }
0x4a: {  	v14 =	vadd.f32 v32, v33;
	v12 =	vmul.f32 v33, v33;
	v13 =	vmul.f32 v32, v32  }
0x4b: {  	(xrf2) =	vadd.scan.msk.f32 $0xffff, v10;
	v11 =	vmul.f32 v34, v34;
	v8 =	vadd.f32 v9, v8;
	v9 =	vadd.f32 v34, v35  }
0x4c: {  	v10 =	vadd.f32 v13, v12  }
0x4d: {  	(xrf2) =	vadd.scan.msk.f32 $0xffff, v8;
	v8 =	vadd.f32 v14, v9;
	v9 =	vadd.f32 v11, v15;
	_ =	sdelay $0x1  }
0x4e: {  	v9 =	vadd.f32 v10, v9  }
0x4f: {  	(xrf2) =	vadd.scan.msk.f32 $0xffff, v8  }
0x50: {  	s25 =	simm.s32 $0x1A40;
	(xrf2) =	vadd.scan.msk.f32 $0xffff, v9;
	s10 =	spop (v2sf)  }
0x51: {  	v17 =	vld [tilespmem:s25+$0x20];
	s2 =	smul.f32 $1.562500000e-02, s10;
	s11 =	spop (v2sf)  }
0x52: {  	v19 =	vld [tilespmem:s25+$0x30];
	s12 =	smul.f32 $1.562500000e-02, s11  }
0x53: {  	v15 =	vld [tilespmem:s25+$0x0];
	s13 =	smul.f32 s2, s2  }
0x54: {  	v14 =	vld [tilespmem:s25+$0x10];
	v8, _, _ =	vpop (xrf2)  }
0x55: {  	(v2sf) =	vpush v8, $0xF;
	s14 =	spop (v2sf);
	s1 =	ssub.f32 s12, s13  }
0x56: {  	s0 =	smul.f32 $1.562500000e-02, s14;
	s8 =	spop (v2sf)  }
0x57: {  	v8, _, _ =	vpop (xrf2);
	s1 =	sadd.f32 $1.562499960e-07, s1;
	s18 =	smul.f32 $1.562500000e-02, s8  }
0x58: {  	(v2sf) =	vpush v8, $0xF;
	s9 =	smul.f32 s0, s0  }
0x59: {  	v18 =	vld [tilespmem:s25+$0xFFFFFFC0];
	v20 =	vmul.f32 v17, v17;
	v22 =	vadd.f32 v19, v17;
	v13 =	vadd.f32 v14, v15;
	v8, _, _ =	vpop (xrf2);
	s19 =	sshrl.u32 s1, $0x1;
	s1 =	smul.f32 $5.000000000e-01, s1  }
0x5a: {  	v21 =	vmul.f32 v19, v19;
	v11 =	vld [tilespmem:s25+$0xFFFFFFE0];
	v9 =	vmul.f32 v15, v15;
	(v2sf) =	vpush v8, $0xF;
	v16, _, _ =	vpop (xrf2);
	s3 =	ssub.f32 s18, s9;
	s8 =	ssub.s32 $0x5F3759DF, s19  }
0x5b: {  	v10 =	vld [tilespmem:s25+$0xFFFFFFD0];
	v12 =	vmul.f32 v14, v14;
	v13 =	vadd.f32 v22, v13;
	(v2sf) =	vpush v16, $0xF;
	s10 =	smul.f32 s8, s1  }
0x5c: {  	v8 =	vld [tilespmem:s25+$0xFFFFFFF0];
	s3 =	sadd.f32 $1.562499960e-07, s3  }
0x5d: {  	v9 =	vadd.f32 v12, v9;
	v12 =	vadd.f32 v21, v20;
	(xrf2) =	vadd.scan.msk.f32 $0xffff, v13;
	s20 =	smul.f32 s8, s10  }
0x5e: {  	s26 =	sshrl.u32 s3, $0x1;
	s12 =	smul.f32 $5.000000000e-01, s3  }
0x5f: {  	v9 =	vadd.f32 v12, v9;
	s4 =	ssub.s32 $0x5F3759DF, s26;
	s9 =	ssub.f32 $1.500000000e+00, s20  }
0x60: {  	s13 =	smul.f32 s4, s12  }
0x61: {  	(xrf2) =	vadd.scan.msk.f32 $0xffff, v9;
	v9 =	vadd.f32 v10, v18;
	v20 =	vadd.f32 v8, v11;
	s8 =	smul.f32 s8, s9  }
0x62: {  	v21 =	vmul.f32 v18, v18;
	v12 =	vmul.f32 v10, v10;
	s9 =	smul.f32 s4, s13  }
0x63: {  	v13 =	vmul.f32 v11, v11;
	v16 =	vmul.f32 v8, v8;
	v9 =	vadd.f32 v20, v9;
	s1 =	smul.f32 s8, s1  }
0x64: {  	s14 =	spop (v2sf)  }
0x65: {  	v12 =	vadd.f32 v12, v21;
	v13 =	vadd.f32 v16, v13;
	s9 =	ssub.f32 $1.500000000e+00, s9;
	s11 =	smul.f32 s1, s8  }
0x66: {  	(xrf2) =	vadd.scan.msk.f32 $0xffff, v9;
	s1 =	smul.f32 $1.562500000e-02, s14  }
0x67: {  	v12 =	vadd.f32 v13, v12;
	v9, _, _ =	vpop (xrf2);
	s18 =	spop (v2sf);
	s3 =	smul.f32 s4, s9  }
0x68: {  	(v2sf) =	vpush v9, $0xF;
	s18 =	smul.f32 $1.562500000e-02, s18;
	s11 =	ssub.f32 $1.500000000e+00, s11  }
0x69: {  	(xrf2) =	vadd.scan.msk.f32 $0xffff, v12;
	s19 =	smul.f32 s1, s1;
	s20 =	spop (v2sf)  }
0x6a: {  	s26 =	simm.s32 $0x1AC0;
	s30 =	smul.f32 $1.562500000e-02, s20;
	s13 =	spop (v2sf)  }
0x6b: {  	v20 =	vld [tilespmem:s26+$0x0];
	v9, _, _ =	vpop (xrf2);
	s4 =	ssub.f32 s18, s19;
	s14 =	smul.f32 $1.562500000e-02, s13  }
0x6c: {  	v22 =	vld [tilespmem:s26+$0x10];
	(v2sf) =	vpush v9, $0xF;
	s18 =	smul.f32 s30, s30  }
0x6d: {  	v21 =	vld [tilespmem:s26+$0x20];
	s11 =	smul.f32 s11, s8;
	s8 =	sadd.f32 $1.562499960e-07, s4  }
0x6e: {  	v23 =	vld [tilespmem:s26+$0x30];
	s12 =	smul.f32 s3, s12;
	s9 =	ssub.f32 s14, s18  }
0x6f: {  	v16 =	vld [tilespmem:s26+$0xFFFFFFC0];
	s19 =	sshrl.u32 s8, $0x1;
	s8 =	smul.f32 $5.000000000e-01, s8  }
0x70: {  	v13 =	vld [tilespmem:s26+$0xFFFFFFD0];
	s12 =	smul.f32 s12, s3;
	v40, _, _ =	vpop (xrf2);
	s20 =	ssub.s32 $0x5F3759DF, s19;
	s9 =	sadd.f32 $1.562499960e-07, s9  }
0x71: {  	v12 =	vld [tilespmem:s26+$0xFFFFFFE0];
	(v2sf) =	vpush v40, $0xF;
	s18 =	smul.f32 s20, s8  }
0x72: {  	v58 =	vmul.f32 v20, v20;
	v9 =	vld [tilespmem:s26+$0xFFFFFFF0];
	s19 =	sshrl.u32 s9, $0x1;
	s9 =	smul.f32 $5.000000000e-01, s9  }
0x73: {  	v42 =	vadd.f32 v22, v20;
	v44 =	vmul.f32 v21, v21;
	v45 =	vmul.f32 v23, v23;
	v43, _, _ =	vpop (xrf2);
	s18 =	smul.f32 s20, s18;
	s19 =	ssub.s32 $0x5F3759DF, s19  }
0x74: {  	v41 =	vmul.f32 v22, v22;
	v46 =	vadd.f32 v23, v21;
	(v2sf) =	vpush v43, $0xF;
	s28 =	smul.f32 s19, s9  }
0x75: {  	v48 =	vmul.f32 v16, v16;
	v60 =	vadd.f32 v45, v44;
	s2 =	smul.f32 s11, s2;
	s18 =	ssub.f32 $1.500000000e+00, s18  }
0x76: {  	v59 =	vmul.f32 v13, v13;
	v42 =	vadd.f32 v46, v42;
	v40 =	vadd.f32 v41, v58;
	s4 =	smul.f32 s19, s28  }
0x77: {  	v62 =	vadd.f32 v13, v16;
	v47 =	vmul.f32 v12, v12;
	v61 =	vmul.f32 v9, v9;
	s13 =	spop (v2sf);
	s10 =	smul.f32 s20, s18  }
0x78: {  	v63 =	vadd.f32 v9, v12;
	s12 =	ssub.f32 $1.500000000e+00, s12;
	v54 =	vmov s2;
	v40 =	vadd.f32 v60, v40;
	s2 =	smul.f32 $1.562500000e-02, s13  }
0x79: {  	(xrf2) =	vadd.scan.msk.f32 $0xffff, v42;
	v51 =	vadd.f32 v61, v47;
	v43 =	vadd.f32 v59, v48;
	s18 =	ssub.f32 $1.500000000e+00, s4;
	s28 =	smul.f32 s10, s8  }
0x7a: {  	v52 =	vadd.f32 v63, v62;
	(xrf2) =	vadd.scan.msk.f32 $0xffff, v40;
	s8 =	smul.f32 s12, s3  }
0x7b: {  	v53 =	vadd.f32 v51, v43;
	s29 =	spop (v2sf);
	s3 =	smul.f32 s19, s18  }
0x7c: {  	v38 =	vmul.f32 s11, v38;
	v27 =	vmul.f32 s11, v27;
	(xrf2) =	vadd.scan.msk.f32 $0xffff, v52;
	s18 =	smul.f32 $1.562500000e-02, s29  }
0x7d: {  	v24 =	vmul.f32 s11, v24;
	v26 =	vmul.f32 s11, v26;
	(xrf2) =	vadd.scan.msk.f32 $0xffff, v53;
	s28 =	smul.f32 s28, s10  }
0x7e: {  	v38 =	vsub.f32 v38, v54;
	v27 =	vsub.f32 v27, v54;
	s19 =	smul.f32 s2, s2  }
0x7f: {  	v55 =	vsub.f32 v24, v54;
	v41 =	vsub.f32 v26, v54;
	s0 =	smul.f32 s8, s0;
	s14 =	ssub.f32 $1.500000000e+00, s28;
	s28 =	simm.s32 $0x1B40  }
0x80: {  	v38 =	vmul.f32 v38, v3;
	v56 =	vmul.f32 v27, v0;
	s9 =	smul.f32 s3, s9;
	s20 =	spop (v2sf);
	v24 =	vld [tilespmem:s28+$0x0]  }
0x81: {  	v40 =	vmul.f32 v55, v1;
	v41 =	vmul.f32 v41, v2;
	v26 =	vld [tilespmem:s28+$0x10];
	s31 =	smul.f32 $1.562500000e-02, s20  }
0x82: {  	v38 =	vadd.f32 v38, v7;
	v42 =	vadd.f32 v56, v4;
	s11 =	ssub.f32 s18, s19;
	v27 =	vld [tilespmem:s28+$0x20];
	s9 =	smul.f32 s9, s3  }
0x83: {  	v57, _, _ =	vpop (xrf2);
	v40 =	vadd.f32 v40, v5;
	v41 =	vadd.f32 v41, v6;
	v43 =	vmul.f32 s8, v28;
	v28 =	vld [tilespmem:s28+$0xFFFFFFE0];
	s10 =	smul.f32 s14, s10;
	s4 =	spop (v2sf)  }
0x84: {  	v47 =	vmul.f32 s8, v25;
	v36 =	vmul.f32 s8, v36;
	v59, _, _ =	vpop (xrf2);
	v25 =	vld [tilespmem:s28+$0xFFFFFFF0];
	(v2sf) =	vpush v57, $0xF;
	s12 =	smul.f32 $1.562500000e-02, s4  }
0x85: {  	v55 =	vmov s0;
	s13 =	sadd.f32 $1.562499960e-07, s11;
	(v2sf) =	vpush v59, $0xF;
	s14 =	smul.f32 s31, s31;
	v58 =	vmul.f32 s10, v31;
	v31 =	vld [tilespmem:s28+$0x30]  }
0x86: {  	v46 =	vmul.f32 s8, v29;
	v61, _, _ =	vpop (xrf2);
	v36 =	vsub.f32 v36, v55;
	s1 =	smul.f32 s10, s1;
	v39 =	vmul.f32 s10, v39  }
0x87: {  	v50, _, _ =	vpop (xrf2);
	s18 =	sshrl.u32 s13, $0x1;
	s9 =	ssub.f32 $1.500000000e+00, s9;
	v37 =	vmul.f32 s10, v37;
	v30 =	vmul.f32 s10, v30;
	s10 =	smul.f32 $5.000000000e-01, s13;
	(v2sf) =	vpush v61, $0xF  }
0x88: {  	v29 =	vld [tilespmem:s28+$0xFFFFFFC0];
	s19 =	ssub.s32 $0x5F3759DF, s18;
	(v2sf) =	vpush v50, $0xF;
	v60 =	vmov s1;
	s1 =	ssub.f32 s12, s14;
	v62 =	vadd.f32 v26, v24  }
0x89: {  	s12 =	smul.f32 s19, s10;
	v51 =	vmul.f32 v24, v24;
	v52 =	vmul.f32 v26, v26;
	v54 =	vadd.f32 v25, v28  }
0x8a: {  	s3 =	smul.f32 s9, s3;
	v63 =	vmul.f32 v27, v27;
	v39 =	vsub.f32 v39, v60;
	s1 =	sadd.f32 $1.562499960e-07, s1;
	v49 =	vadd.f32 v31, v27  }
0x8b: {  	v57 =	vmul.f32 v28, v28;
	v44 =	vsub.f32 v58, v60;
	v45 =	vsub.f32 v30, v60;
	s12 =	smul.f32 s19, s12  }
0x8c: {  	v30 =	vld [tilespmem:s28+$0xFFFFFFD0];
	v58 =	vmul.f32 v25, v25;
	v56 =	vmul.f32 v31, v31;
	s20 =	sshrl.u32 s1, $0x1;
	s1 =	smul.f32 $5.000000000e-01, s1;
	v48 =	vadd.f32 v49, v62  }
0x8d: {  	v37 =	vsub.f32 v37, v60;
	v60 =	vmul.f32 v29, v29;
	v35 =	vmul.f32 s3, v35;
	s12 =	ssub.f32 $1.500000000e+00, s12;
	s18 =	ssub.s32 $0x5F3759DF, s20  }
0x8e: {  	v34 =	vmul.f32 s3, v34;
	v51 =	vadd.f32 v52, v51;
	v49 =	vadd.f32 v56, v63;
	s4 =	smul.f32 s18, s1;
	(xrf2) =	vadd.scan.msk.f32 $0xffff, v48  }
0x8f: {  	v33 =	vmul.f32 s3, v33;
	v39 =	vmul.f32 v39, v3;
	v50 =	vadd.f32 v58, v57;
	s12 =	smul.f32 s19, s12  }
0x90: {  	[tilespmem:s24+$0x30] =	vst v38;
	v61 =	vmul.f32 v44, v0;
	v37 =	vmul.f32 v37, v1;
	v62 =	vadd.f32 v49, v51;
	s11 =	smul.f32 s18, s4  }
0x91: {  	[tilespmem:s24+$0x0] =	vst v42;
	v57 =	vsub.f32 v47, v55;
	v58 =	vmul.f32 v45, v2;
	v63 =	vadd.f32 v30, v29;
	s13 =	smul.f32 s12, s10  }
0x92: {  	v39 =	vadd.f32 v39, v7;
	v56 =	vsub.f32 v43, v55;
	v59 =	vmul.f32 v30, v30;
	(xrf2) =	vadd.scan.msk.f32 $0xffff, v62;
	s0 =	ssub.f32 $1.500000000e+00, s11  }
0x93: {  	[tilespmem:s24+$0x10] =	vst v40;
	v43 =	vmul.f32 v57, v1;
	v38 =	vadd.f32 v61, v4;
	v42 =	vadd.f32 v54, v63;
	s10 =	smul.f32 s13, s12;
	s14 =	spop (v2sf)  }
0x94: {  	[tilespmem:s24+$0x20] =	vst v41;
	v40 =	vmul.f32 v56, v0;
	v48 =	vadd.f32 v59, v60;
	v60 =	vsub.f32 v46, v55;
	s19 =	spop (v2sf);
	s0 =	smul.f32 s18, s0  }
0x95: {  	[tilespmem:s23+$0x30] =	vst v39;
	v61 =	vadd.f32 v43, v5;
	v63 =	vmul.f32 v36, v3;
	(xrf2) =	vadd.scan.msk.f32 $0xffff, v42;
	s8 =	smul.f32 $1.562500000e-02, s14;
	s20 =	ssub.f32 $1.500000000e+00, s10  }
0x96: {  	[tilespmem:s23+$0x0] =	vst v38;
	v40 =	vadd.f32 v40, v4;
	v59 =	vadd.f32 v50, v48;
	v62 =	vmul.f32 v60, v2;
	s18 =	smul.f32 $1.562500000e-02, s19  }
0x97: {  	s29 =	sshll.u32 s21, $0x1;
	v32 =	vmul.f32 s3, v32;
	v39 =	vadd.f32 v37, v5;
	v36 =	vadd.f32 v58, v6;
	[tilespmem:s24+$0xFFFFFFD0] =	vst v61;
	s11 =	simm.s32 $0x8;
	s9 =	smul.f32 s20, s12  }
0x98: {  	v37 =	vadd.f32 v63, v7;
	[tilespmem:s24+$0xFFFFFFC0] =	vst v40;
	(xrf2) =	vadd.scan.msk.f32 $0xffff, v59;
	v40 =	vadd.f32 v62, v6;
	s19 =	spop (v2sf);
	s12 =	simm.s32 $0x1BC0;
	s10 =	smul.f32 s8, s8;
	v41, _, _ =	vpop (xrf2)  }
.LBB2_3:
0x99: {  	s20 =	smul.f32 s9, s2;
	v42 =	vmul.f32 s9, v15;
	v43 =	vmul.f32 s9, v14;
	[tilespmem:s23+$0x10] =	vst v39;
	v15 =	vmovc v20;
	v20 =	vmovc v24;
	v24 =	vld [tilespmem:s12+$0x0];
	v14 =	vmov v22;
	s2 =	smov.u32 s8  }
0x9a: {  	v39 =	vmul.f32 s9, v17;
	v44 =	vmul.f32 s9, v19;
	v22 =	vmovc v26;
	v17 =	vmovc v21;
	v21 =	vmov v27;
	s10 =	ssub.f32 s18, s10;
	s18 =	spop (v2sf);
	[tilespmem:s24+$0xFFFFFFE0] =	vst v40;
	v26 =	vld [tilespmem:s12+$0x10]  }
0x9b: {  	s8 =	smul.f32 $1.562500000e-02, s19;
	[tilespmem:s24+$0xFFFFFFF0] =	vst v37;
	s24 =	smov.u32 s23  }
0x9c: {  	v19 =	vmov v23;
	v27 =	vld [tilespmem:s12+$0x20];
	(v2sf) =	vpush v41, $0xF;
	v40, _, _ =	vpop (xrf2);
	v41 =	vmov s20;
	s23 =	smov.u32 s25;
	s18 =	smul.f32 $1.562500000e-02, s18;
	s9 =	sadd.f32 $1.562499960e-07, s10  }
0x9d: {  	v23 =	vmovc v31;
	v38 =	vmovc v12;
	v12 =	vmov v28;
	s25 =	smov.u32 s26;
	s26 =	smov.u32 s28;
	(v2sf) =	vpush v40, $0xF;
	v37 =	vsub.f32 v44, v41;
	[tilespmem:s24+$0x20] =	vst v36;
	v31 =	vld [tilespmem:s12+$0x30];
	s10 =	smul.f32 s8, s8  }
0x9e: {  	s28 =	smov.u32 s12;
	v36 =	vsub.f32 v42, v41;
	v42 =	vsub.f32 v43, v41;
	v40 =	vld [tilespmem:s12+$0xFFFFFFD0];
	v43 =	vmovc v8;
	v8 =	vmovc v9;
	v9 =	vmov v25;
	s19 =	sshrl.u32 s9, $0x1;
	s9 =	smul.f32 $5.000000000e-01, s9  }
0x9f: {  	s1 =	smul.f32 s0, s1;
	v39 =	vsub.f32 v39, v41;
	v28 =	vld [tilespmem:s12+$0xFFFFFFE0];
	v44, _, _ =	vpop (xrf2);
	v37 =	vmul.f32 v37, v3;
	v41 =	vmov v18;
	s10 =	ssub.f32 s18, s10;
	s18 =	ssub.s32 $0x5F3759DF, s19  }
0xa0: {  	v36 =	vmul.f32 v36, v0;
	v42 =	vmul.f32 v42, v1;
	v18 =	vmovc v16;
	v16 =	vmovc v29;
	v25 =	vld [tilespmem:s12+$0xFFFFFFF0];
	(v2sf) =	vpush v44, $0xF;
	s19 =	smul.f32 s18, s9  }
0xa1: {  	s11 =	sadd.s32 $0x2, s11;
	s20 =	smul.f32 s1, s0;
	v45 =	vmul.f32 v39, v2;
	v44 =	vadd.f32 v26, v24;
	v29 =	vld [tilespmem:s12+$0xFFFFFFC0];
	v37 =	vadd.f32 v37, v7;
	s10 =	sadd.f32 $1.562499960e-07, s10  }
0xa2: {  	p0 =	slt.u32 s11, $0x7E;
	v46 =	vmul.f32 v24, v24;
	v47 =	vmul.f32 v26, v26;
	v39 =	vadd.f32 v31, v27;
	v48, _, _ =	vpop (xrf2);
	s19 =	smul.f32 s18, s19  }
0xa3: {  	v49 =	vmul.f32 v27, v27;
	v50 =	vmul.f32 v31, v31;
	(v2sf) =	vpush v48, $0xF;
	[tilespmem:s23+$0x30] =	vst v37;
	s13 =	sshrl.u32 s10, $0x1;
	s1 =	smul.f32 $5.000000000e-01, s10;
	s10 =	ssub.f32 $1.500000000e+00, s20  }
0xa4: {  	s3 =	smul.f32 s3, s30;
	v37 =	vmul.f32 v40, v40;
	v48 =	vmul.f32 v28, v28;
	v39 =	vadd.f32 v39, v44;
	s13 =	ssub.s32 $0x5F3759DF, s13;
	s19 =	ssub.f32 $1.500000000e+00, s19  }
0xa5: {  	v46 =	vadd.f32 v47, v46;
	v47 =	vadd.f32 v50, v49;
	v44 =	vmul.f32 v25, v25;
	s20 =	smul.f32 s13, s1  }
0xa6: {  	s30 =	smov.u32 s31;
	s31 =	smov.u32 s8;
	v50 =	vadd.f32 v25, v28;
	v49 =	vadd.f32 v40, v29;
	v51 =	vmul.f32 v29, v29;
	(xrf2) =	vadd.scan.msk.f32 $0xffff, v39;
	s14 =	smul.f32 s18, s19  }
0xa7: {  	v39 =	vadd.f32 v44, v48;
	v44 =	vadd.f32 v47, v46;
	v46 =	vmov s3;
	s3 =	smul.f32 s13, s20  }
0xa8: {  	v47 =	vadd.f32 v50, v49;
	v37 =	vadd.f32 v37, v51;
	s8 =	smul.f32 s14, s9  }
0xa9: {  	v35 =	vsub.f32 v35, v46;
	v34 =	vsub.f32 v34, v46;
	(xrf2) =	vadd.scan.msk.f32 $0xffff, v44;
	s9 =	ssub.f32 $1.500000000e+00, s3;
	s3 =	smul.f32 s10, s0  }
0xaa: {  	v37 =	vadd.f32 v39, v37;
	v39 =	vsub.f32 v33, v46;
	s18 =	smul.f32 s8, s14  }
0xab: {  	v44 =	vmul.f32 v35, v0;
	v48 =	vmul.f32 v34, v1;
	v46 =	vsub.f32 v32, v46;
	s10 =	spop (v2sf);
	s0 =	smul.f32 s13, s9  }
.Ltmp0:
0xac: {  	v36 =	vadd.f32 v36, v4;
	v35 =	vmul.f32 s3, v41;
	v34 =	vmul.f32 s3, v10;
	(xrf2) =	vadd.scan.msk.f32 $0xffff, v47;
	s19 =	spop (v2sf);
	(pc) =	sbr.rel @p0 .LBB2_3-.Ltmp0, $4  }
0xad: {  	v33 =	vmul.f32 s3, v11;
	v32 =	vmul.f32 s3, v43;
	v10 =	vmovc v13;
	v13 =	vmovc v30;
	s8 =	smul.f32 $1.562500000e-02, s10;
	v47 =	vadd.f32 v44, v4;
	s9 =	ssub.f32 $1.500000000e+00, s18  }
0xae: {  	v43 =	vadd.f32 v48, v5;
	v44 =	vmul.f32 v39, v2;
	v46 =	vmul.f32 v46, v3;
	s18 =	smul.f32 $1.562500000e-02, s19;
	[tilespmem:s23+$0x0] =	vst v36  }
0xaf: {  	v30 =	vmovc v40;
	v39 =	vadd.f32 v42, v5;
	v36 =	vadd.f32 v45, v6;
	(xrf2) =	vadd.scan.msk.f32 $0xffff, v37;
	s19 =	spop (v2sf);
	s9 =	smul.f32 s9, s14;
	[tilespmem:s24+$0xFFFFFFC0] =	vst v47  }
0xb0: {  	s12 =	sadd.s32 $0x80, s12;
	v11 =	vmov v38;
	s10 =	smul.f32 s8, s8;
	v40 =	vadd.f32 v44, v6;
	v37 =	vadd.f32 v46, v7;
	v41, _, _ =	vpop (xrf2);
	[tilespmem:s24+$0xFFFFFFD0] =	vst v43  }
0xb1: {  	(v2sf) =	vpush v41, $0xF  }
0xb2: {  	s10 =	ssub.f32 s18, s10  }
0xb3: {  	s11 =	smul.f32 $1.562500000e-02, s19;
	s12 =	spop (v2sf)  }
0xb4: {  	s12 =	smul.f32 $1.562500000e-02, s12;
	s10 =	sadd.f32 $1.562499960e-07, s10  }
0xb5: {  	v38, _, _ =	vpop (xrf2);
	s13 =	smul.f32 s11, s11  }
0xb6: {  	(v2sf) =	vpush v38, $0xF;
	s14 =	sshrl.u32 s10, $0x1;
	s10 =	smul.f32 $5.000000000e-01, s10  }
0xb7: {  	s4 =	ssub.s32 $0x5F3759DF, s14  }
0xb8: {  	s12 =	ssub.f32 s12, s13;
	v50, _, _ =	vpop (xrf2);
	s14 =	smul.f32 s4, s10  }
0xb9: {  	s1 =	smul.f32 s0, s1;
	(v2sf) =	vpush v50, $0xF  }
0xba: {  	s12 =	sadd.f32 $1.562499960e-07, s12;
	s19 =	smul.f32 s4, s14  }
0xbb: {  	s18 =	smul.f32 s1, s0  }
0xbc: {  	s20 =	sshrl.u32 s12, $0x1;
	s12 =	smul.f32 $5.000000000e-01, s12;
	s1 =	ssub.f32 $1.500000000e+00, s19  }
0xbd: {  	v51, _, _ =	vpop (xrf2);
	s19 =	smul.f32 s3, s30  }
0xbe: {  	(v2sf) =	vpush v51, $0xF;
	s14 =	ssub.s32 $0x5F3759DF, s20;
	s13 =	smul.f32 s4, s1  }
0xbf: {  	s3 =	smul.f32 s14, s12  }
0xc0: {  	s4 =	spop (v2sf);
	s10 =	smul.f32 s13, s10  }
0xc1: {  	s1 =	smul.f32 $1.562500000e-02, s4  }
0xc2: {  	s4 =	smul.f32 s9, s2  }
0xc3: {  	s2 =	ssub.f32 $1.500000000e+00, s18;
	s18 =	smul.f32 s14, s3  }
0xc4: {  	s10 =	smul.f32 s10, s13  }
0xc5: {  	s20 =	spop (v2sf);
	s30 =	smul.f32 s1, s1  }
0xc6: {  	s3 =	smul.f32 s2, s0;
	s2 =	ssub.f32 $1.500000000e+00, s18  }
0xc7: {  	s20 =	smul.f32 $1.562500000e-02, s20  }
0xc8: {  	s2 =	smul.f32 s14, s2;
	s0 =	spop (v2sf)  }
0xc9: {  	s20 =	ssub.f32 s20, s30;
	s0 =	smul.f32 $1.562500000e-02, s0  }
0xca: {  	v15 =	vmul.f32 s9, v15;
	v53 =	vmov s19;
	s12 =	smul.f32 s2, s12  }
0xcb: {  	v19 =	vmul.f32 s9, v19;
	v35 =	vsub.f32 v35, v53;
	v34 =	vsub.f32 v34, v53;
	s20 =	sadd.f32 $1.562499960e-07, s20;
	s19 =	smul.f32 s0, s0  }
0xcc: {  	v14 =	vmul.f32 s9, v14;
	v17 =	vmul.f32 s9, v17;
	v33 =	vsub.f32 v33, v53;
	s12 =	smul.f32 s12, s2  }
0xcd: {  	v32 =	vsub.f32 v32, v53;
	v35 =	vmul.f32 v35, v0;
	v34 =	vmul.f32 v34, v1;
	s9 =	spop (v2sf);
	s18 =	sshrl.u32 s20, $0x1;
	s20 =	smul.f32 $5.000000000e-01, s20  }
0xce: {  	v33 =	vmul.f32 v33, v2;
	v52 =	vmov s4;
	s10 =	ssub.f32 $1.500000000e+00, s10;
	s4 =	smul.f32 $1.562500000e-02, s9;
	s14 =	ssub.s32 $0x5F3759DF, s18  }
0xcf: {  	v32 =	vmul.f32 v32, v3;
	v35 =	vadd.f32 v35, v4;
	v34 =	vadd.f32 v34, v5;
	s18 =	smul.f32 s14, s20  }
0xd0: {  	[tilespmem:s24+$0xFFFFFFE0] =	vst v40;
	v19 =	vsub.f32 v19, v52;
	v15 =	vsub.f32 v15, v52;
	v18 =	vmul.f32 s3, v18;
	s10 =	smul.f32 s10, s13;
	s4 =	ssub.f32 s4, s19  }
0xd1: {  	[tilespmem:s24+$0xFFFFFFF0] =	vst v37;
	v33 =	vadd.f32 v33, v6;
	v10 =	vmul.f32 s3, v10;
	v11 =	vmul.f32 s3, v11;
	s24 =	ssub.f32 $1.500000000e+00, s12;
	s18 =	smul.f32 s14, s18  }
0xd2: {  	v32 =	vadd.f32 v32, v7;
	v19 =	vmul.f32 v19, v3;
	v15 =	vmul.f32 v15, v0;
	s8 =	smul.f32 s10, s8;
	s4 =	sadd.f32 $1.562499960e-07, s4  }
0xd3: {  	v14 =	vsub.f32 v14, v52;
	v20 =	vmul.f32 s10, v20;
	v22 =	vmul.f32 s10, v22;
	s2 =	smul.f32 s24, s2;
	s9 =	ssub.f32 $1.500000000e+00, s18  }
0xd4: {  	v17 =	vsub.f32 v17, v52;
	v21 =	vmul.f32 s10, v21;
	v23 =	vmul.f32 s10, v23;
	s10 =	smul.f32 $5.000000000e-01, s4  }
0xd5: {  	v8 =	vmul.f32 s3, v8;
	v19 =	vadd.f32 v19, v7;
	v54 =	vmov s8;
	s9 =	smul.f32 s14, s9  }
0xd6: {  	v14 =	vmul.f32 v14, v1;
	v15 =	vadd.f32 v15, v4;
	v23 =	vsub.f32 v23, v54;
	s4 =	sshrl.u32 s4, $0x1;
	s14 =	smul.f32 s3, s31  }
0xd7: {  	[tilespmem:s23+$0x10] =	vst v39;
	v17 =	vmul.f32 v17, v2;
	v20 =	vsub.f32 v20, v54;
	v22 =	vsub.f32 v22, v54;
	s4 =	ssub.s32 $0x5F3759DF, s4;
	s18 =	smul.f32 s9, s20  }
0xd8: {  	v14 =	vadd.f32 v14, v5;
	[tilespmem:s25+$0x30] =	vst v19;
	v21 =	vsub.f32 v21, v54;
	v19 =	vmul.f32 v23, v3;
	s19 =	smul.f32 s4, s10  }
0xd9: {  	v17 =	vadd.f32 v17, v6;
	[tilespmem:s25+$0x0] =	vst v15;
	v20 =	vmul.f32 v20, v0;
	v15 =	vmul.f32 v22, v1;
	s20 =	smul.f32 s18, s9  }
0xda: {  	[tilespmem:s23+$0x20] =	vst v36;
	v21 =	vmul.f32 v21, v2;
	v19 =	vadd.f32 v19, v7;
	v23 =	vmov s14;
	s14 =	smul.f32 s4, s19  }
0xdb: {  	[tilespmem:s25+$0x10] =	vst v14;
	v14 =	vmul.f32 s2, v16;
	v16 =	vadd.f32 v20, v4;
	v18 =	vsub.f32 v18, v23;
	s3 =	ssub.f32 $1.500000000e+00, s20  }
0xdc: {  	[tilespmem:s23+$0xFFFFFFC0] =	vst v35;
	v13 =	vmul.f32 s2, v13;
	v10 =	vsub.f32 v10, v23;
	v11 =	vsub.f32 v11, v23;
	s12 =	ssub.f32 $1.500000000e+00, s14  }
0xdd: {  	[tilespmem:s23+$0xFFFFFFD0] =	vst v34;
	v12 =	vmul.f32 s2, v12;
	v8 =	vsub.f32 v8, v23;
	v18 =	vmul.f32 v18, v0;
	s3 =	smul.f32 s3, s9  }
0xde: {  	[tilespmem:s23+$0xFFFFFFE0] =	vst v33;
	v15 =	vadd.f32 v15, v5;
	v10 =	vmul.f32 v10, v1;
	v11 =	vmul.f32 v11, v2;
	s4 =	smul.f32 s4, s12  }
0xdf: {  	[tilespmem:s25+$0x20] =	vst v17;
	v17 =	vadd.f32 v21, v6;
	v8 =	vmul.f32 v8, v3;
	v18 =	vadd.f32 v18, v4;
	s1 =	smul.f32 s3, s1  }
0xe0: {  	[tilespmem:s26+$0x30] =	vst v19;
	v10 =	vadd.f32 v10, v5;
	v11 =	vadd.f32 v11, v6;
	s18 =	smul.f32 s4, s10;
	v20 =	vmul.f32 s3, v31  }
0xe1: {  	[tilespmem:s26+$0x0] =	vst v16;
	s20 =	smul.f32 s2, s11;
	v19 =	vmul.f32 s3, v24;
	v21 =	vmul.f32 s3, v26;
	v22 =	vmov s1  }
0xe2: {  	[tilespmem:s26+$0x10] =	vst v15;
	v8 =	vadd.f32 v8, v7;
	s19 =	smul.f32 s18, s4;
	v16 =	vmul.f32 s3, v27;
	v20 =	vsub.f32 v20, v22  }
0xe3: {  	v9 =	vmul.f32 s2, v9;
	[tilespmem:s25+$0xFFFFFFC0] =	vst v18;
	v18 =	vsub.f32 v19, v22;
	v19 =	vsub.f32 v21, v22  }
0xe4: {  	[tilespmem:s25+$0xFFFFFFD0] =	vst v10;
	s1 =	ssub.f32 $1.500000000e+00, s19;
	v10 =	vsub.f32 v16, v22;
	v16 =	vmul.f32 v20, v3;
	v20 =	vmov s20  }
0xe5: {  	[tilespmem:s25+$0xFFFFFFE0] =	vst v11;
	v15 =	vmul.f32 v18, v0;
	v11 =	vmul.f32 v19, v1;
	v14 =	vsub.f32 v14, v20  }
0xe6: {  	[tilespmem:s25+$0xFFFFFFF0] =	vst v8;
	s1 =	smul.f32 s1, s4;
	v10 =	vmul.f32 v10, v2;
	v13 =	vsub.f32 v13, v20;
	v8 =	vsub.f32 v12, v20  }
0xe7: {  	[tilespmem:s23+$0xFFFFFFF0] =	vst v32;
	v9 =	vsub.f32 v9, v20;
	v16 =	vadd.f32 v16, v7;
	v12 =	vmul.f32 v14, v0  }
0xe8: {  	[tilespmem:s26+$0x20] =	vst v17;
	s0 =	smul.f32 s1, s0;
	v17 =	vmul.f32 s1, v28;
	v15 =	vadd.f32 v15, v4;
	v13 =	vmul.f32 v13, v1  }
0xe9: {  	v14 =	vmul.f32 s1, v29;
	v8 =	vmul.f32 v8, v2;
	[tilespmem:s28+$0x30] =	vst v16;
	v12 =	vadd.f32 v12, v4  }
0xea: {  	v16 =	vmul.f32 s1, v30;
	[tilespmem:s28+$0x0] =	vst v15;
	v15 =	vmov s0;
	v13 =	vadd.f32 v13, v5  }
0xeb: {  	v11 =	vadd.f32 v11, v5;
	v9 =	vmul.f32 v9, v3;
	[tilespmem:s26+$0xFFFFFFC0] =	vst v12;
	v12 =	vsub.f32 v14, v15  }
0xec: {  	v8 =	vadd.f32 v8, v6;
	v14 =	vmul.f32 s1, v25;
	[tilespmem:s26+$0xFFFFFFD0] =	vst v13;
	v13 =	vsub.f32 v16, v15  }
0xed: {  	[tilespmem:s28+$0x10] =	vst v11;
	v9 =	vadd.f32 v9, v7;
	v11 =	vsub.f32 v17, v15;
	v12 =	vmul.f32 v12, v0  }
0xee: {  	v10 =	vadd.f32 v10, v6;
	[tilespmem:s26+$0xFFFFFFE0] =	vst v8;
	v8 =	vmul.f32 v13, v1;
	v13 =	vsub.f32 v14, v15  }
0xef: {  	[tilespmem:s26+$0xFFFFFFF0] =	vst v9;
	v11 =	vmul.f32 v11, v2;
	v9 =	vadd.f32 v12, v4  }
0xf0: {  	[tilespmem:s28+$0x20] =	vst v10;
	v8 =	vadd.f32 v8, v5;
	v10 =	vmul.f32 v13, v3  }
0xf1: {  	[tilespmem:s28+$0xFFFFFFC0] =	vst v9;
	v9 =	vadd.f32 v11, v6  }
0xf2: {  	s23 =	sadd.s32 s7, s29;
	[tilespmem:s28+$0xFFFFFFD0] =	vst v8;
	v8 =	vadd.f32 v10, v7  }
0xf3: {  	s0 =	sshll.u32 s23, $0xA;
	[tilespmem:s28+$0xFFFFFFE0] =	vst v9  }
0xf4: {  	p0 =	seq.s32 s21, $0x18;
	s24 =	simm.s32 $0x1900;
	s0 =	sadd.s32 s15, s0;
	[tilespmem:s28+$0xFFFFFFF0] =	vst v8  }
0xf5: {  	[hbm4b:s0+s5] =	stream.linear.scatter [tilespmem:s24], [sflag:$0x3], $0x2000, $0x38;
	[tilespmem:$0x5980] =	vst v63  }
0xf6: {  	s0 =	simm.s32 @!p0 $0x3  }
0xf7: {  	_ =	swait.ge @!p0 [sflag:s0], $0x2000  }
0xf8: {  	s1 =	sshll.u32 @!p0 s21, $0x8;
	[sflag:s0] =	ssyncset.done @!p0 $0x0  }
0xf9: {  	[sflag:s0] =	ssyncadd.s32 @!p0 $0xFFFFE000;
	s0 =	sand.u32 @!p0 $0x3FFFFF00, s1  }
0xfa: {  	s2 =	simm.s32 @!p0 $0x1900;
	s1 =	simm.s32 @!p0 $0x80;
	s0 =	sadd.s32 @!p0 $0x100, s0  }
0xfb: {  	[tilespmem:s2], [sflag:$0x1] =	stream.indirect.gather @!p0 [hbm4b:s6+s1], $0x40, s0, s1, $0xb8;
	[tilespmem:$0x5980] =	vst v63  }
0xfc: {  	_ =	swait.ge [sflag:s17], $0x2000  }
0xfd: {  	[sflag:s17] =	ssyncset.done $0x0  }
0xfe: {  	s24 =	simm.s32 $0x3940;
	[sflag:s17] =	ssyncadd.s32 $0xFFFFE000  }
0xff: {  	v23 =	vld [tilespmem:s24+$0x0]  }
0x100: {  	v20 =	vld [tilespmem:s24+$0x10]  }
0x101: {  	v22 =	vld [tilespmem:s24+$0x20]  }
0x102: {  	v55 =	vld [tilespmem:s24+$0x30];
	_ =	sdelay $0x1  }
0x103: {  	v27 =	vld [tilespmem:s24+$0xFFFFFFE0]  }
0x104: {  	v36 =	vld [tilespmem:s24+$0xFFFFFFF0]  }
0x105: {  	v21 =	vld [tilespmem:s24+$0xFFFFFFD0];
	v8 =	vmul.f32 v23, v23;
	v9 =	vmul.f32 v20, v20  }
0x106: {  	v24 =	vld [tilespmem:s24+$0xFFFFFFC0];
	v10 =	vmul.f32 v22, v22;
	v11 =	vmul.f32 v55, v55  }
0x107: {  	v12 =	vadd.f32 v20, v23;
	v13 =	vadd.f32 v55, v22  }
0x108: {  	v8 =	vadd.f32 v9, v8;
	v9 =	vadd.f32 v11, v10  }
0x109: {  	v14 =	vadd.f32 v36, v27;
	v11 =	vadd.f32 v13, v12  }
0x10a: {  	v12 =	vmul.f32 v27, v27;
	v13 =	vmul.f32 v36, v36;
	v8 =	vadd.f32 v9, v8  }
0x10b: {  	v15 =	vmul.f32 v24, v24;
	v10 =	vmul.f32 v21, v21;
	v9 =	vadd.f32 v21, v24;
	(xrf2) =	vadd.scan.msk.f32 $0xffff, v11  }
0x10c: {  	v11 =	vadd.f32 v13, v12;
	(xrf2) =	vadd.scan.msk.f32 $0xffff, v8  }
0x10d: {  	v8 =	vadd.f32 v14, v9;
	v9 =	vadd.f32 v10, v15;
	_ =	sdelay $0x1  }
0x10e: {  	v9 =	vadd.f32 v11, v9  }
0x10f: {  	(xrf2) =	vadd.scan.msk.f32 $0xffff, v8  }
0x110: {  	(xrf2) =	vadd.scan.msk.f32 $0xffff, v9  }
0x111: {  	s23 =	simm.s32 $0x39C0  }
0x112: {  	v30 =	vld [tilespmem:s23+$0x0]  }
0x113: {  	v37 =	vld [tilespmem:s23+$0x10]  }
0x114: {  	v29 =	vld [tilespmem:s23+$0x20];
	v8, _, _ =	vpop (xrf2)  }
0x115: {  	v39 =	vld [tilespmem:s23+$0x30];
	(v2sf) =	vpush v8, $0xF;
	v8, _, _ =	vpop (xrf2)  }
0x116: {  	(v2sf) =	vpush v8, $0xF;
	_ =	sdelay $0x1  }
0x117: {  	v34 =	vld [tilespmem:s23+$0xFFFFFFD0]  }
0x118: {  	v33 =	vld [tilespmem:s23+$0xFFFFFFE0];
	v12 =	vmul.f32 v29, v29;
	v10 =	vadd.f32 v37, v30;
	v8, _, _ =	vpop (xrf2)  }
0x119: {  	v35 =	vld [tilespmem:s23+$0xFFFFFFC0];
	v13 =	vmul.f32 v39, v39;
	v14 =	vadd.f32 v39, v29;
	(v2sf) =	vpush v8, $0xF;
	v11, _, _ =	vpop (xrf2)  }
0x11a: {  	v32 =	vld [tilespmem:s23+$0xFFFFFFF0];
	v9 =	vmul.f32 v37, v37;
	v8 =	vmul.f32 v30, v30;
	(v2sf) =	vpush v11, $0xF  }
0x11b: {  	v10 =	vadd.f32 v14, v10  }
0x11c: {  	v8 =	vadd.f32 v9, v8;
	v9 =	vadd.f32 v13, v12  }
0x11d: {  	(xrf2) =	vadd.scan.msk.f32 $0xffff, v10  }
0x11e: {  	v15 =	vmul.f32 v35, v35;
	v8 =	vadd.f32 v9, v8  }
0x11f: {  	v14 =	vadd.f32 v32, v33;
	v11 =	vmul.f32 v34, v34;
	v9 =	vadd.f32 v34, v35  }
0x120: {  	v12 =	vmul.f32 v33, v33;
	v13 =	vmul.f32 v32, v32;
	(xrf2) =	vadd.scan.msk.f32 $0xffff, v8  }
0x121: {  	v8 =	vadd.f32 v14, v9  }
0x122: {  	v10 =	vadd.f32 v13, v12;
	v9 =	vadd.f32 v11, v15  }
0x123: {  	(xrf2) =	vadd.scan.msk.f32 $0xffff, v8;
	s25 =	spop (v2sf)  }
0x124: {  	v9 =	vadd.f32 v10, v9;
	s1 =	smul.f32 $1.562500000e-02, s25;
	s26 =	spop (v2sf)  }
0x125: {  	s25 =	simm.s32 $0x3A40;
	s2 =	smul.f32 $1.562500000e-02, s26  }
0x126: {  	(xrf2) =	vadd.scan.msk.f32 $0xffff, v9;
	v17 =	vld [tilespmem:s25+$0x0];
	s3 =	smul.f32 s1, s1  }
0x127: {  	v8, _, _ =	vpop (xrf2);
	v15 =	vld [tilespmem:s25+$0x10]  }
0x128: {  	(v2sf) =	vpush v8, $0xF;
	v16 =	vld [tilespmem:s25+$0x20];
	s4 =	spop (v2sf);
	s2 =	ssub.f32 s2, s3  }
0x129: {  	v19 =	vld [tilespmem:s25+$0x30];
	s0 =	smul.f32 $1.562500000e-02, s4;
	s8 =	spop (v2sf)  }
0x12a: {  	v8, _, _ =	vpop (xrf2);
	s2 =	sadd.f32 $1.562499960e-07, s2;
	s9 =	smul.f32 $1.562500000e-02, s8  }
0x12b: {  	(v2sf) =	vpush v8, $0xF;
	s11 =	smul.f32 s0, s0  }
0x12c: {  	v10 =	vmul.f32 v17, v17;
	s10 =	sshrl.u32 s2, $0x1;
	s2 =	smul.f32 $5.000000000e-01, s2  }
0x12d: {  	v8, _, _ =	vpop (xrf2);
	v12 =	vmul.f32 v15, v15;
	v14 =	vadd.f32 v15, v17;
	v18 =	vmul.f32 v16, v16;
	s3 =	ssub.f32 s9, s11;
	s4 =	ssub.s32 $0x5F3759DF, s10  }
0x12e: {  	v9 =	vld [tilespmem:s25+$0xFFFFFFD0];
	v25 =	vmul.f32 v19, v19;
	v26 =	vadd.f32 v19, v16;
	(v2sf) =	vpush v8, $0xF;
	s12 =	smul.f32 s4, s2  }
0x12f: {  	v11 =	vld [tilespmem:s25+$0xFFFFFFE0];
	v10 =	vadd.f32 v12, v10;
	s3 =	sadd.f32 $1.562499960e-07, s3  }
0x130: {  	v8 =	vld [tilespmem:s25+$0xFFFFFFF0];
	v13, _, _ =	vpop (xrf2);
	v12 =	vadd.f32 v25, v18;
	v14 =	vadd.f32 v26, v14;
	s13 =	smul.f32 s4, s12  }
0x131: {  	(v2sf) =	vpush v13, $0xF;
	v13 =	vld [tilespmem:s25+$0xFFFFFFC0];
	s14 =	sshrl.u32 s3, $0x1;
	s10 =	smul.f32 $5.000000000e-01, s3  }
0x132: {  	v10 =	vadd.f32 v12, v10;
	(xrf2) =	vadd.scan.msk.f32 $0xffff, v14;
	s3 =	ssub.s32 $0x5F3759DF, s14;
	s8 =	ssub.f32 $1.500000000e+00, s13  }
0x133: {  	s18 =	smul.f32 s3, s10  }
0x134: {  	(xrf2) =	vadd.scan.msk.f32 $0xffff, v10;
	s4 =	smul.f32 s4, s8  }
0x135: {  	s8 =	smul.f32 s3, s18  }
0x136: {  	v25 =	vadd.f32 v8, v11;
	v10 =	vadd.f32 v9, v13;
	s2 =	smul.f32 s4, s2  }
0x137: {  	v12 =	vmul.f32 v9, v9;
	v14 =	vmul.f32 v11, v11;
	s19 =	spop (v2sf)  }
0x138: {  	v18 =	vmul.f32 v8, v8;
	v26 =	vmul.f32 v13, v13;
	v10 =	vadd.f32 v25, v10;
	s8 =	ssub.f32 $1.500000000e+00, s8;
	s20 =	smul.f32 s2, s4  }
0x139: {  	s2 =	smul.f32 $1.562500000e-02, s19  }
0x13a: {  	v14 =	vadd.f32 v18, v14;
	v12 =	vadd.f32 v12, v26;
	s26 =	spop (v2sf);
	s3 =	smul.f32 s3, s8  }
0x13b: {  	(xrf2) =	vadd.scan.msk.f32 $0xffff, v10;
	s12 =	smul.f32 $1.562500000e-02, s26  }
0x13c: {  	v12 =	vadd.f32 v14, v12;
	v10, _, _ =	vpop (xrf2);
	s13 =	ssub.f32 $1.500000000e+00, s20;
	s14 =	smul.f32 s2, s2  }
0x13d: {  	(v2sf) =	vpush v10, $0xF;
	s18 =	spop (v2sf);
	s10 =	smul.f32 s3, s10  }
0x13e: {  	(xrf2) =	vadd.scan.msk.f32 $0xffff, v12;
	v10, _, _ =	vpop (xrf2);
	s29 =	smul.f32 $1.562500000e-02, s18  }
0x13f: {  	(v2sf) =	vpush v10, $0xF;
	s9 =	smul.f32 s13, s4;
	s19 =	ssub.f32 s12, s14  }
0x140: {  	s26 =	simm.s32 $0x3AC0;
	s20 =	spop (v2sf);
	s10 =	smul.f32 s10, s3  }
0x141: {  	v25 =	vld [tilespmem:s26+$0x0];
	s12 =	smul.f32 $1.562500000e-02, s20;
	s4 =	sadd.f32 $1.562499960e-07, s19  }
0x142: {  	v28 =	vld [tilespmem:s26+$0x10];
	s13 =	smul.f32 s29, s29  }
0x143: {  	v26 =	vld [tilespmem:s26+$0x20];
	s10 =	ssub.f32 $1.500000000e+00, s10;
	s14 =	sshrl.u32 s4, $0x1;
	s4 =	smul.f32 $5.000000000e-01, s4  }
0x144: {  	v31 =	vld [tilespmem:s26+$0x30];
	s1 =	smul.f32 s9, s1;
	s8 =	ssub.f32 s12, s13;
	s18 =	ssub.s32 $0x5F3759DF, s14  }
0x145: {  	v14 =	vld [tilespmem:s26+$0xFFFFFFD0];
	v56, _, _ =	vpop (xrf2);
	s12 =	smul.f32 s18, s4  }
0x146: {  	v12 =	vld [tilespmem:s26+$0xFFFFFFE0];
	s3 =	smul.f32 s10, s3;
	(v2sf) =	vpush v56, $0xF;
	s8 =	sadd.f32 $1.562499960e-07, s8  }
0x147: {  	v18 =	vld [tilespmem:s26+$0xFFFFFFC0];
	s12 =	smul.f32 s18, s12  }
0x148: {  	v10 =	vld [tilespmem:s26+$0xFFFFFFF0];
	v57 =	vmul.f32 v25, v25;
	v43, _, _ =	vpop (xrf2);
	s19 =	sshrl.u32 s8, $0x1;
	s8 =	smul.f32 $5.000000000e-01, s8  }
0x149: {  	v58 =	vmul.f32 v28, v28;
	v42 =	vadd.f32 v28, v25;
	s0 =	smul.f32 s3, s0;
	(v2sf) =	vpush v43, $0xF;
	s13 =	ssub.s32 $0x5F3759DF, s19;
	s12 =	ssub.f32 $1.500000000e+00, s12  }
0x14a: {  	v44 =	vmul.f32 v26, v26;
	v45 =	vmul.f32 v31, v31;
	v46 =	vadd.f32 v31, v26;
	s20 =	smul.f32 s13, s8  }
0x14b: {  	v40 =	vadd.f32 v58, v57;
	s11 =	smul.f32 s18, s12  }
0x14c: {  	v59 =	vmul.f32 v14, v14;
	v60 =	vadd.f32 v45, v44;
	v42 =	vadd.f32 v46, v42;
	s18 =	smul.f32 s13, s20;
	s19 =	spop (v2sf)  }
0x14d: {  	v47 =	vmul.f32 v12, v12;
	v62 =	vadd.f32 v14, v18;
	v61 =	vmul.f32 v10, v10;
	s31 =	smul.f32 $1.562500000e-02, s19  }
0x14e: {  	v48 =	vmul.f32 v18, v18;
	v63 =	vadd.f32 v10, v12;
	v40 =	vadd.f32 v60, v40;
	(xrf2) =	vadd.scan.msk.f32 $0xffff, v42;
	s4 =	smul.f32 s11, s4;
	s20 =	spop (v2sf)  }
0x14f: {  	v51 =	vadd.f32 v61, v47;
	s12 =	ssub.f32 $1.500000000e+00, s18;
	s18 =	smul.f32 $1.562500000e-02, s20  }
0x150: {  	v38 =	vmul.f32 s9, v55;
	v52 =	vadd.f32 v63, v62;
	v43 =	vadd.f32 v59, v48;
	(xrf2) =	vadd.scan.msk.f32 $0xffff, v40;
	s4 =	smul.f32 s4, s11  }
0x151: {  	v23 =	vmul.f32 s9, v23;
	v22 =	vmul.f32 s9, v22;
	v54 =	vmov s1;
	s1 =	smul.f32 s13, s12  }
0x152: {  	v20 =	vmul.f32 s9, v20;
	v38 =	vsub.f32 v38, v54;
	v53 =	vadd.f32 v51, v43;
	(xrf2) =	vadd.scan.msk.f32 $0xffff, v52;
	s10 =	smul.f32 s31, s31;
	s4 =	ssub.f32 $1.500000000e+00, s4  }
0x153: {  	s28 =	simm.s32 $0x3B40;
	v23 =	vsub.f32 v23, v54;
	v41 =	vsub.f32 v22, v54;
	v47 =	vmul.f32 s3, v21;
	s8 =	smul.f32 s1, s8  }
0x154: {  	v55 =	vsub.f32 v20, v54;
	v20 =	vld [tilespmem:s28+$0x0];
	v36 =	vmul.f32 s3, v36;
	v38 =	vmul.f32 v38, v3;
	(xrf2) =	vadd.scan.msk.f32 $0xffff, v53;
	s9 =	ssub.f32 s18, s10;
	s4 =	smul.f32 s4, s11  }
0x155: {  	v22 =	vld [tilespmem:s28+$0x10];
	v56 =	vmul.f32 v23, v0;
	v41 =	vmul.f32 v41, v2;
	s19 =	spop (v2sf);
	s8 =	smul.f32 s8, s1  }
0x156: {  	v21 =	vld [tilespmem:s28+$0xFFFFFFF0];
	v40 =	vmul.f32 v55, v1;
	v43 =	vmul.f32 s3, v24;
	s13 =	sadd.f32 $1.562499960e-07, s9;
	s30 =	smul.f32 $1.562500000e-02, s19  }
0x157: {  	v23 =	vld [tilespmem:s28+$0x20];
	v38 =	vadd.f32 v38, v7;
	s2 =	smul.f32 s4, s2;
	v58 =	vmul.f32 s4, v30;
	v39 =	vmul.f32 s4, v39  }
0x158: {  	v42 =	vadd.f32 v56, v4;
	v24 =	vld [tilespmem:s28+$0xFFFFFFE0];
	v57, _, _ =	vpop (xrf2);
	v37 =	vmul.f32 s4, v37;
	s20 =	spop (v2sf);
	v29 =	vmul.f32 s4, v29;
	s4 =	smul.f32 $5.000000000e-01, s13  }
0x159: {  	v41 =	vadd.f32 v41, v6;
	v55 =	vmov s0;
	s18 =	sshrl.u32 s13, $0x1;
	v30 =	vld [tilespmem:s28+$0x30];
	(v2sf) =	vpush v57, $0xF;
	s12 =	smul.f32 $1.562500000e-02, s20  }
0x15a: {  	v62 =	vadd.f32 v22, v20;
	v51 =	vmul.f32 v20, v20;
	v52 =	vmul.f32 v22, v22;
	v59, _, _ =	vpop (xrf2);
	s19 =	ssub.s32 $0x5F3759DF, s18;
	s14 =	smul.f32 s30, s30  }
0x15b: {  	v46 =	vmul.f32 s3, v27;
	v36 =	vsub.f32 v36, v55;
	(v2sf) =	vpush v59, $0xF;
	s10 =	smul.f32 s19, s4  }
0x15c: {  	v27 =	vld [tilespmem:s28+$0xFFFFFFC0];
	v40 =	vadd.f32 v40, v5;
	v51 =	vadd.f32 v52, v51;
	v61, _, _ =	vpop (xrf2);
	v60 =	vmov s2;
	s2 =	ssub.f32 s12, s14  }
0x15d: {  	v54 =	vadd.f32 v21, v24;
	s8 =	ssub.f32 $1.500000000e+00, s8;
	(v2sf) =	vpush v61, $0xF;
	s10 =	smul.f32 s19, s10  }
0x15e: {  	v63 =	vmul.f32 v23, v23;
	v50, _, _ =	vpop (xrf2);
	v39 =	vsub.f32 v39, v60;
	v49 =	vadd.f32 v30, v23;
	s2 =	sadd.f32 $1.562499960e-07, s2  }
0x15f: {  	v57 =	vmul.f32 v24, v24;
	s1 =	smul.f32 s8, s1;
	v44 =	vsub.f32 v58, v60;
	(v2sf) =	vpush v50, $0xF;
	s10 =	ssub.f32 $1.500000000e+00, s10  }
0x160: {  	v45 =	vsub.f32 v29, v60;
	v29 =	vld [tilespmem:s28+$0xFFFFFFD0];
	v56 =	vmul.f32 v30, v30;
	v48 =	vadd.f32 v49, v62;
	s20 =	sshrl.u32 s2, $0x1;
	s2 =	smul.f32 $5.000000000e-01, s2  }
0x161: {  	v37 =	vsub.f32 v37, v60;
	v58 =	vmul.f32 v21, v21;
	v60 =	vmul.f32 v27, v27;
	s11 =	ssub.s32 $0x5F3759DF, s20;
	s10 =	smul.f32 s19, s10  }
0x162: {  	v35 =	vmul.f32 s1, v35;
	v34 =	vmul.f32 s1, v34;
	v49 =	vadd.f32 v56, v63;
	(xrf2) =	vadd.scan.msk.f32 $0xffff, v48;
	s12 =	smul.f32 s11, s2  }
0x163: {  	v33 =	vmul.f32 s1, v33;
	v39 =	vmul.f32 v39, v3;
	v50 =	vadd.f32 v58, v57;
	s14 =	smul.f32 s10, s4  }
0x164: {  	[tilespmem:s24+$0x30] =	vst v38;
	v61 =	vmul.f32 v44, v0;
	v37 =	vmul.f32 v37, v1;
	v62 =	vadd.f32 v49, v51;
	s13 =	smul.f32 s11, s12  }
0x165: {  	[tilespmem:s24+$0x0] =	vst v42;
	v57 =	vsub.f32 v47, v55;
	v58 =	vmul.f32 v45, v2;
	v63 =	vadd.f32 v29, v27;
	s3 =	smul.f32 s14, s10  }
0x166: {  	v39 =	vadd.f32 v39, v7;
	v56 =	vsub.f32 v43, v55;
	v59 =	vmul.f32 v29, v29;
	(xrf2) =	vadd.scan.msk.f32 $0xffff, v62;
	s0 =	ssub.f32 $1.500000000e+00, s13  }
0x167: {  	[tilespmem:s24+$0x20] =	vst v41;
	v43 =	vmul.f32 v57, v1;
	v38 =	vadd.f32 v61, v4;
	v42 =	vadd.f32 v54, v63;
	s20 =	ssub.f32 $1.500000000e+00, s3  }
0x168: {  	[tilespmem:s24+$0x10] =	vst v40;
	v40 =	vmul.f32 v56, v0;
	v48 =	vadd.f32 v59, v60;
	v60 =	vsub.f32 v46, v55;
	s18 =	spop (v2sf);
	s0 =	smul.f32 s11, s0  }
0x169: {  	[tilespmem:s23+$0x30] =	vst v39;
	v61 =	vadd.f32 v43, v5;
	v63 =	vmul.f32 v36, v3;
	(xrf2) =	vadd.scan.msk.f32 $0xffff, v42;
	s8 =	smul.f32 $1.562500000e-02, s18  }
0x16a: {  	[tilespmem:s23+$0x0] =	vst v38;
	v40 =	vadd.f32 v40, v4;
	v59 =	vadd.f32 v50, v48;
	v62 =	vmul.f32 v60, v2;
	s19 =	spop (v2sf);
	s12 =	smul.f32 s20, s10  }
0x16b: {  	v32 =	vmul.f32 s1, v32;
	v39 =	vadd.f32 v37, v5;
	v36 =	vadd.f32 v58, v6;
	[tilespmem:s24+$0xFFFFFFD0] =	vst v61;
	s3 =	simm.s32 $0x8;
	s9 =	smul.f32 $1.562500000e-02, s19  }
0x16c: {  	v37 =	vadd.f32 v63, v7;
	[tilespmem:s24+$0xFFFFFFC0] =	vst v40;
	(xrf2) =	vadd.scan.msk.f32 $0xffff, v59;
	v40 =	vadd.f32 v62, v6;
	s11 =	simm.s32 $0x3BC0;
	s18 =	spop (v2sf);
	s10 =	smul.f32 s8, s8;
	v41, _, _ =	vpop (xrf2)  }
.LBB2_5:
0x16d: {  	s4 =	smul.f32 s12, s31;
	v42 =	vmul.f32 s12, v17;
	v43 =	vmul.f32 s12, v15;
	[tilespmem:s23+$0x10] =	vst v39;
	v17 =	vmovc v25;
	v25 =	vmovc v20;
	v20 =	vld [tilespmem:s11+$0x0];
	v15 =	vmov v28;
	s31 =	smov.u32 s8  }
0x16e: {  	v39 =	vmul.f32 s12, v16;
	v44 =	vmul.f32 s12, v19;
	v28 =	vmovc v22;
	v16 =	vmovc v26;
	v26 =	vmov v23;
	s9 =	ssub.f32 s9, s10;
	s10 =	spop (v2sf);
	[tilespmem:s24+$0xFFFFFFE0] =	vst v40;
	v22 =	vld [tilespmem:s11+$0x10]  }
0x16f: {  	s8 =	smul.f32 $1.562500000e-02, s18;
	[tilespmem:s24+$0xFFFFFFF0] =	vst v37;
	s24 =	smov.u32 s23  }
0x170: {  	v19 =	vmov v31;
	v23 =	vld [tilespmem:s11+$0x20];
	(v2sf) =	vpush v41, $0xF;
	v40, _, _ =	vpop (xrf2);
	v41 =	vmov s4;
	s23 =	smov.u32 s25;
	s4 =	smul.f32 $1.562500000e-02, s10;
	s9 =	sadd.f32 $1.562499960e-07, s9  }
0x171: {  	v31 =	vmovc v30;
	v38 =	vmovc v12;
	v12 =	vmov v24;
	s25 =	smov.u32 s26;
	s10 =	smul.f32 s8, s8;
	s26 =	smov.u32 s28;
	(v2sf) =	vpush v40, $0xF;
	v37 =	vsub.f32 v44, v41;
	[tilespmem:s24+$0x20] =	vst v36;
	v30 =	vld [tilespmem:s11+$0x30]  }
0x172: {  	s28 =	smov.u32 s11;
	v36 =	vsub.f32 v42, v41;
	v42 =	vsub.f32 v43, v41;
	v40 =	vld [tilespmem:s11+$0xFFFFFFD0];
	v43 =	vmovc v8;
	v8 =	vmovc v10;
	v10 =	vmov v21;
	s12 =	sshrl.u32 s9, $0x1;
	s9 =	smul.f32 $5.000000000e-01, s9  }
0x173: {  	s2 =	smul.f32 s0, s2;
	v39 =	vsub.f32 v39, v41;
	s4 =	ssub.f32 s4, s10;
	v24 =	vld [tilespmem:s11+$0xFFFFFFE0];
	v44, _, _ =	vpop (xrf2);
	v37 =	vmul.f32 v37, v3;
	v41 =	vmov v13;
	s10 =	ssub.s32 $0x5F3759DF, s12  }
0x174: {  	v36 =	vmul.f32 v36, v0;
	v42 =	vmul.f32 v42, v1;
	v13 =	vmovc v18;
	v18 =	vmovc v27;
	v21 =	vld [tilespmem:s11+$0xFFFFFFF0];
	(v2sf) =	vpush v44, $0xF;
	s12 =	smul.f32 s10, s9  }
0x175: {  	s3 =	sadd.s32 $0x2, s3;
	s13 =	smul.f32 s2, s0;
	v45 =	vmul.f32 v39, v2;
	v44 =	vadd.f32 v22, v20;
	s4 =	sadd.f32 $1.562499960e-07, s4;
	v27 =	vld [tilespmem:s11+$0xFFFFFFC0];
	v37 =	vadd.f32 v37, v7  }
0x176: {  	p0 =	slt.u32 s3, $0x7E;
	v46 =	vmul.f32 v20, v20;
	v47 =	vmul.f32 v22, v22;
	v39 =	vadd.f32 v30, v23;
	v48, _, _ =	vpop (xrf2);
	s12 =	smul.f32 s10, s12  }
0x177: {  	v49 =	vmul.f32 v23, v23;
	v50 =	vmul.f32 v30, v30;
	s14 =	sshrl.u32 s4, $0x1;
	s2 =	smul.f32 $5.000000000e-01, s4;
	s4 =	ssub.f32 $1.500000000e+00, s13;
	(v2sf) =	vpush v48, $0xF;
	[tilespmem:s23+$0x30] =	vst v37  }
0x178: {  	s1 =	smul.f32 s1, s29;
	v37 =	vmul.f32 v40, v40;
	s13 =	ssub.s32 $0x5F3759DF, s14;
	v48 =	vmul.f32 v24, v24;
	v39 =	vadd.f32 v39, v44;
	s12 =	ssub.f32 $1.500000000e+00, s12  }
0x179: {  	v46 =	vadd.f32 v47, v46;
	v47 =	vadd.f32 v50, v49;
	s14 =	smul.f32 s13, s2;
	v44 =	vmul.f32 v21, v21  }
0x17a: {  	s29 =	smov.u32 s30;
	s30 =	smov.u32 s8;
	v50 =	vadd.f32 v21, v24;
	v49 =	vadd.f32 v40, v27;
	v51 =	vmul.f32 v27, v27;
	(xrf2) =	vadd.scan.msk.f32 $0xffff, v39;
	s10 =	smul.f32 s10, s12  }
0x17b: {  	v39 =	vadd.f32 v44, v48;
	v44 =	vadd.f32 v47, v46;
	v46 =	vmov s1;
	s1 =	smul.f32 s13, s14  }
0x17c: {  	v47 =	vadd.f32 v50, v49;
	v37 =	vadd.f32 v37, v51;
	s8 =	smul.f32 s10, s9  }
0x17d: {  	v35 =	vsub.f32 v35, v46;
	v34 =	vsub.f32 v34, v46;
	(xrf2) =	vadd.scan.msk.f32 $0xffff, v44;
	s9 =	ssub.f32 $1.500000000e+00, s1;
	s1 =	smul.f32 s4, s0  }
0x17e: {  	v37 =	vadd.f32 v39, v37;
	v39 =	vsub.f32 v33, v46;
	s12 =	smul.f32 s8, s10  }
0x17f: {  	v44 =	vmul.f32 v35, v0;
	v48 =	vmul.f32 v34, v1;
	v46 =	vsub.f32 v32, v46;
	s4 =	spop (v2sf);
	s0 =	smul.f32 s13, s9  }
.Ltmp1:
0x180: {  	v36 =	vadd.f32 v36, v4;
	v35 =	vmul.f32 s1, v41;
	v34 =	vmul.f32 s1, v9;
	(xrf2) =	vadd.scan.msk.f32 $0xffff, v47;
	s14 =	spop (v2sf);
	(pc) =	sbr.rel @p0 .LBB2_5-.Ltmp1, $4  }
0x181: {  	v33 =	vmul.f32 s1, v11;
	v32 =	vmul.f32 s1, v43;
	v9 =	vmovc v14;
	v14 =	vmovc v29;
	s8 =	smul.f32 $1.562500000e-02, s4;
	v47 =	vadd.f32 v44, v4;
	s4 =	ssub.f32 $1.500000000e+00, s12  }
0x182: {  	v43 =	vadd.f32 v48, v5;
	v44 =	vmul.f32 v39, v2;
	v46 =	vmul.f32 v46, v3;
	s9 =	smul.f32 $1.562500000e-02, s14;
	[tilespmem:s23+$0x0] =	vst v36  }
0x183: {  	v29 =	vmovc v40;
	v39 =	vadd.f32 v42, v5;
	v36 =	vadd.f32 v45, v6;
	(xrf2) =	vadd.scan.msk.f32 $0xffff, v37;
	s18 =	spop (v2sf);
	s12 =	smul.f32 s4, s10;
	[tilespmem:s24+$0xFFFFFFC0] =	vst v47  }
0x184: {  	s11 =	sadd.s32 $0x80, s11;
	v11 =	vmov v38;
	v40 =	vadd.f32 v44, v6;
	s10 =	smul.f32 s8, s8;
	v37 =	vadd.f32 v46, v7;
	v41, _, _ =	vpop (xrf2);
	[tilespmem:s24+$0xFFFFFFD0] =	vst v43  }
0x185: {  	(v2sf) =	vpush v41, $0xF  }
0x186: {  	s3 =	smul.f32 $1.562500000e-02, s18;
	s4 =	ssub.f32 s9, s10  }
0x187: {  	s2 =	smul.f32 s0, s2;
	s13 =	spop (v2sf);
	v38, _, _ =	vpop (xrf2)  }
0x188: {  	s9 =	smul.f32 $1.562500000e-02, s13;
	(v2sf) =	vpush v38, $0xF;
	s4 =	sadd.f32 $1.562499960e-07, s4  }
0x189: {  	s2 =	smul.f32 s2, s0  }
0x18a: {  	s14 =	sshrl.u32 s4, $0x1;
	s4 =	smul.f32 $5.000000000e-01, s4  }
0x18b: {  	s11 =	smul.f32 s3, s3;
	s2 =	ssub.f32 $1.500000000e+00, s2;
	v57, _, _ =	vpop (xrf2);
	s10 =	ssub.s32 $0x5F3759DF, s14  }
0x18c: {  	(v2sf) =	vpush v57, $0xF;
	s13 =	smul.f32 s10, s4  }
0x18d: {  	s9 =	ssub.f32 s9, s11;
	s2 =	smul.f32 s2, s0  }
0x18e: {  	v58, _, _ =	vpop (xrf2);
	s18 =	smul.f32 s10, s13  }
0x18f: {  	s9 =	sadd.f32 $1.562499960e-07, s9;
	(v2sf) =	vpush v58, $0xF  }
0x190: {  	s30 =	smul.f32 s2, s30;
	s11 =	ssub.f32 $1.500000000e+00, s18  }
0x191: {  	s13 =	smul.f32 $5.000000000e-01, s9  }
0x192: {  	s10 =	smul.f32 s10, s11  }
0x193: {  	s11 =	smul.f32 s1, s29  }
0x194: {  	s4 =	smul.f32 s10, s4;
	s19 =	spop (v2sf)  }
0x195: {  	s1 =	smul.f32 $1.562500000e-02, s19  }
0x196: {  	s4 =	smul.f32 s4, s10  }
0x197: {  	s9 =	sshrl.u32 s9, $0x1;
	s14 =	spop (v2sf);
	s20 =	smul.f32 s1, s1  }
0x198: {  	s9 =	ssub.s32 $0x5F3759DF, s9;
	s14 =	smul.f32 $1.562500000e-02, s14  }
0x199: {  	s19 =	smul.f32 s9, s13;
	s4 =	ssub.f32 $1.500000000e+00, s4  }
0x19a: {  	s29 =	smul.f32 s12, s31;
	s14 =	ssub.f32 s14, s20  }
0x19b: {  	v19 =	vmul.f32 s12, v19;
	v17 =	vmul.f32 s12, v17;
	s19 =	smul.f32 s9, s19;
	s31 =	spop (v2sf)  }
0x19c: {  	v13 =	vmul.f32 s2, v13;
	v9 =	vmul.f32 s2, v9;
	s4 =	smul.f32 s4, s10;
	s20 =	sadd.f32 $1.562499960e-07, s14  }
0x19d: {  	v11 =	vmul.f32 s2, v11;
	v8 =	vmul.f32 s2, v8;
	v63 =	vmov s30;
	s0 =	smul.f32 $1.562500000e-02, s31  }
0x19e: {  	v13 =	vsub.f32 v13, v63;
	v9 =	vsub.f32 v9, v63;
	v59 =	vmov s29;
	s29 =	spop (v2sf);
	s10 =	smul.f32 $5.000000000e-01, s20  }
0x19f: {  	v15 =	vmul.f32 s12, v15;
	v11 =	vsub.f32 v11, v63;
	v8 =	vsub.f32 v8, v63;
	s31 =	sshrl.u32 s20, $0x1;
	s14 =	smul.f32 $1.562500000e-02, s29  }
0x1a0: {  	v13 =	vmul.f32 v13, v0;
	v9 =	vmul.f32 v9, v1;
	s29 =	ssub.f32 $1.500000000e+00, s19;
	s18 =	ssub.s32 $0x5F3759DF, s31;
	s31 =	smul.f32 s0, s0  }
0x1a1: {  	v11 =	vmul.f32 v11, v2;
	v8 =	vmul.f32 v8, v3;
	s20 =	smul.f32 s18, s10  }
0x1a2: {  	v16 =	vmul.f32 s12, v16;
	v13 =	vadd.f32 v13, v4;
	v9 =	vadd.f32 v9, v5;
	s9 =	smul.f32 s9, s29  }
0x1a3: {  	v60 =	vmov s11;
	v11 =	vadd.f32 v11, v6;
	v8 =	vadd.f32 v8, v7;
	s14 =	ssub.f32 s14, s31;
	s12 =	smul.f32 s18, s20  }
0x1a4: {  	v19 =	vsub.f32 v19, v59;
	v25 =	vmul.f32 s4, v25;
	v28 =	vmul.f32 s4, v28;
	s20 =	smul.f32 s9, s13  }
0x1a5: {  	v17 =	vsub.f32 v17, v59;
	v26 =	vmul.f32 s4, v26;
	v31 =	vmul.f32 s4, v31;
	s4 =	smul.f32 s4, s8;
	s11 =	sadd.f32 $1.562499960e-07, s14  }
0x1a6: {  	v15 =	vsub.f32 v15, v59;
	v35 =	vsub.f32 v35, v60;
	s19 =	ssub.f32 $1.500000000e+00, s12;
	s12 =	smul.f32 s20, s9  }
0x1a7: {  	[tilespmem:s23+$0x10] =	vst v39;
	v34 =	vsub.f32 v34, v60;
	v16 =	vsub.f32 v16, v59;
	v19 =	vmul.f32 v19, v3;
	s29 =	smul.f32 $5.000000000e-01, s11;
	s11 =	sshrl.u32 s11, $0x1  }
0x1a8: {  	[tilespmem:s23+$0x20] =	vst v36;
	v33 =	vsub.f32 v33, v60;
	v17 =	vmul.f32 v17, v0;
	v35 =	vmul.f32 v35, v0;
	s8 =	smul.f32 s18, s19;
	s11 =	ssub.s32 $0x5F3759DF, s11  }
0x1a9: {  	[tilespmem:s24+$0xFFFFFFE0] =	vst v40;
	v32 =	vsub.f32 v32, v60;
	v34 =	vmul.f32 v34, v1;
	v15 =	vmul.f32 v15, v1;
	s19 =	ssub.f32 $1.500000000e+00, s12;
	s31 =	smul.f32 s11, s29  }
0x1aa: {  	[tilespmem:s24+$0xFFFFFFF0] =	vst v37;
	v16 =	vmul.f32 v16, v2;
	v19 =	vadd.f32 v19, v7;
	v17 =	vadd.f32 v17, v4;
	s10 =	smul.f32 s8, s10  }
0x1ab: {  	[tilespmem:s25+$0xFFFFFFC0] =	vst v13;
	v35 =	vadd.f32 v35, v4;
	v34 =	vadd.f32 v34, v5;
	v61 =	vmov s4;
	s9 =	smul.f32 s19, s9  }
0x1ac: {  	[tilespmem:s25+$0xFFFFFFD0] =	vst v9;
	v33 =	vmul.f32 v33, v2;
	v15 =	vadd.f32 v15, v5;
	v31 =	vsub.f32 v31, v61;
	s20 =	smul.f32 s11, s31  }
0x1ad: {  	[tilespmem:s25+$0xFFFFFFE0] =	vst v11;
	v32 =	vmul.f32 v32, v3;
	v16 =	vadd.f32 v16, v6;
	v25 =	vsub.f32 v25, v61;
	s18 =	smul.f32 s10, s8  }
0x1ae: {  	[tilespmem:s25+$0xFFFFFFF0] =	vst v8;
	v33 =	vadd.f32 v33, v6;
	v28 =	vsub.f32 v28, v61;
	v62 =	vmul.f32 v31, v3;
	s12 =	ssub.f32 $1.500000000e+00, s20  }
0x1af: {  	v32 =	vadd.f32 v32, v7;
	[tilespmem:s25+$0x30] =	vst v19;
	v26 =	vsub.f32 v26, v61;
	v25 =	vmul.f32 v25, v0;
	s30 =	smul.f32 s9, s3;
	s2 =	ssub.f32 $1.500000000e+00, s18  }
0x1b0: {  	[tilespmem:s23+$0xFFFFFFD0] =	vst v34;
	v28 =	vmul.f32 v28, v1;
	v19 =	vadd.f32 v62, v7;
	v34 =	vmul.f32 s9, v18;
	s24 =	smul.f32 s11, s12  }
0x1b1: {  	[tilespmem:s23+$0xFFFFFFC0] =	vst v35;
	v14 =	vmul.f32 s9, v14;
	v12 =	vmul.f32 s9, v12;
	v47 =	vmov s30;
	s2 =	smul.f32 s2, s8  }
0x1b2: {  	[tilespmem:s25+$0x10] =	vst v15;
	v26 =	vmul.f32 v26, v2;
	v35 =	vadd.f32 v25, v4;
	v15 =	vsub.f32 v34, v47;
	s4 =	smul.f32 s24, s29  }
0x1b3: {  	[tilespmem:s25+$0x0] =	vst v17;
	v10 =	vmul.f32 s9, v10;
	v14 =	vsub.f32 v14, v47;
	v8 =	vsub.f32 v12, v47;
	s1 =	smul.f32 s2, s1  }
0x1b4: {  	[tilespmem:s23+$0xFFFFFFE0] =	vst v33;
	v17 =	vadd.f32 v28, v5;
	v36 =	vadd.f32 v26, v6;
	v50 =	vmul.f32 v15, v0;
	s29 =	smul.f32 s4, s24  }
0x1b5: {  	[tilespmem:s23+$0xFFFFFFF0] =	vst v32;
	v10 =	vsub.f32 v10, v47;
	v14 =	vmul.f32 v14, v1;
	v8 =	vmul.f32 v8, v2  }
0x1b6: {  	[tilespmem:s25+$0x20] =	vst v16;
	v37 =	vmul.f32 s2, v30;
	v38 =	vmul.f32 s2, v20;
	v40 =	vmov s1;
	s1 =	ssub.f32 $1.500000000e+00, s29  }
0x1b7: {  	[tilespmem:s26+$0x30] =	vst v19;
	v39 =	vmul.f32 s2, v22;
	v12 =	vadd.f32 v50, v4;
	v54 =	vadd.f32 v14, v5  }
0x1b8: {  	[tilespmem:s26+$0x0] =	vst v35;
	v41 =	vmul.f32 s2, v23;
	v42 =	vsub.f32 v37, v40;
	v43 =	vsub.f32 v38, v40;
	s1 =	smul.f32 s1, s24  }
0x1b9: {  	[tilespmem:s26+$0x10] =	vst v17;
	v10 =	vmul.f32 v10, v3;
	v8 =	vadd.f32 v8, v6;
	v44 =	vsub.f32 v39, v40  }
0x1ba: {  	[tilespmem:s26+$0x20] =	vst v36;
	v45 =	vsub.f32 v41, v40;
	v46 =	vmul.f32 v42, v3;
	v13 =	vmul.f32 v43, v0;
	s0 =	smul.f32 s1, s0  }
0x1bb: {  	v10 =	vadd.f32 v10, v7;
	[tilespmem:s26+$0xFFFFFFC0] =	vst v12;
	v48 =	vmul.f32 v44, v1;
	v51 =	vmul.f32 s1, v27  }
0x1bc: {  	[tilespmem:s26+$0xFFFFFFD0] =	vst v54;
	v9 =	vmul.f32 v45, v2;
	v52 =	vmul.f32 s1, v29;
	v55 =	vmov s0  }
0x1bd: {  	[tilespmem:s26+$0xFFFFFFE0] =	vst v8;
	v49 =	vadd.f32 v46, v7;
	v53 =	vmul.f32 s1, v24;
	v56 =	vsub.f32 v51, v55  }
0x1be: {  	[tilespmem:s26+$0xFFFFFFF0] =	vst v10;
	v13 =	vadd.f32 v13, v4;
	v57 =	vmul.f32 s1, v21;
	v58 =	vsub.f32 v52, v55  }
0x1bf: {  	v11 =	vadd.f32 v48, v5;
	[tilespmem:s28+$0x30] =	vst v49;
	v59 =	vsub.f32 v53, v55;
	v12 =	vmul.f32 v56, v0  }
0x1c0: {  	v9 =	vadd.f32 v9, v6;
	[tilespmem:s28+$0x0] =	vst v13;
	v60 =	vsub.f32 v57, v55;
	v8 =	vmul.f32 v58, v1  }
0x1c1: {  	s21 =	sadd.s32 $0x1, s21;
	[tilespmem:s28+$0x10] =	vst v11;
	v11 =	vmul.f32 v59, v2;
	v61 =	vadd.f32 v12, v4  }
0x1c2: {  	p0 =	sne.s32 s21, $0x19;
	[tilespmem:s28+$0x20] =	vst v9;
	v62 =	vmul.f32 v60, v3;
	v8 =	vadd.f32 v8, v5  }
.Ltmp2:
0x1c3: {  	s31 =	sadd.s32 s7, s22;
	v63 =	vadd.f32 v11, v6;
	[tilespmem:s28+$0xFFFFFFC0] =	vst v61;
	(pc) =	sbr.rel @p0 .LBB2_2-.Ltmp2, $4  }
0x1c4: {  	s0 =	sshll.u32 s31, $0xA;
	[tilespmem:s28+$0xFFFFFFD0] =	vst v8;
	v8 =	vadd.f32 v62, v7  }
0x1c5: {  	s0 =	sand.u32 $0x1FFFFC00, s0;
	[tilespmem:s28+$0xFFFFFFE0] =	vst v63  }
0x1c6: {  	s3 =	simm.s32 $0x3900;
	s0 =	sadd.s32 s15, s0;
	[tilespmem:s28+$0xFFFFFFF0] =	vst v8  }
0x1c7: {  	[hbm4b:s0+s5] =	stream.linear.scatter [tilespmem:s3], [sflag:$0x4], $0x2000, $0x38;
	[tilespmem:$0x5980] =	vst v63  }
0x1c8: {  	s0 =	simm.s32 $0x3  }
0x1c9: {  	_ =	swait.ge [sflag:s0], $0x2000  }
0x1ca: {  	[sflag:s0] =	ssyncset.done $0x0  }
0x1cb: {  	s1 =	simm.s32 $0x4;
	[sflag:s0] =	ssyncadd.s32 $0xFFFFE000  }
0x1cc: {  	_ =	swait.ge [sflag:s1], $0x2000  }
0x1cd: {  	s2 =	rddreg [dreg:$0x8]  }
0x1ce: {  	s31 =	rddreg [dreg:$0x7];
	s2 =	sadd.s32 $0x1, s2  }
0x1cf: {  	p0 =	sne.s32 s2, s31  }
.Ltmp3:
0x1d0: {  	_ = 	snop;
	(pc) =	sbr.rel @p0 .LBB2_1-.Ltmp3, $3  }
0x1d1: {  	_ =	sdelay $0x1  }
0x1d2: {  	[sflag:s1] =	ssyncset.done $0x0  }
0x1d3: {  	[sflag:s1] =	ssyncadd.s32 $0xFFFFE000  }
0x1d4: {  	_ =	sfence.sel $0x180000  }
0x1d5: {  	[bflag:$0x0] =	sbarrier.arrive $0xFFFF  }
0x1d6: {  	_ =	strace $0x90000047  }
0x1d7: {  	s0 =	stileid.u32;
	[bflag:$0x2] =	sbarrier.arrive $0xFFFF  }
0x1d8: {  	p0 =	sne.s32 s0, $0x0;
	s0 =	rddreg [dreg:$0x5]  }
0x1d9: {  	s0 =	sadd.s32 @!p0 $0x100000, s0  }
0x1da: {  	[sflag:s0] =	ssyncadd.tile.s32 @!p0 $0x1;
	_ =	shalt  }
.Lfunc_end2:
_tile_overlayer_lowered:
.L_overlay_start_2:
0x1db: {  	(tag) =	ssettag $0x2  }
0x1dc: {  	s0 =	rddreg [dreg:$0x0];
	s2 =	stileid.u32  }
0x1dd: {  	s1 =	rddreg [dreg:$0x1];
	p0 =	sne.s32 s2, $0x0  }
0x1de: {  	s3 =	rddreg [dreg:$0x2];
	[bflag:$0x3] =	sbarrier.arrive $0xFFFF;
	s2 =	simm.s32 @!p0 $0x1C05  }
0x1df: {  	[timem:s3], [sflag:s2] =	dma.local @!p0 [hbm:s0], s1  }
0x1e0: {  	s0 =	simm.s32 @!p0 $0x5  }
0x1e1: {  	_ =	swait.ge @!p0 [sflag:s0], s1  }
0x1e2: {  	s1 =	ssub.s32 @!p0 $0x0, s1;
	[sflag:s0] =	ssyncset.done @!p0 $0x0  }
0x1e3: {  	[sflag:s0] =	ssyncadd.s32 @!p0 s1  }
0x1e4: {  	[bflag:$0x3] =	sbarrier.arrive $0xFFFF  }
0x1e5: {  	_ =	shalt  }

// kernel: sparse-core-data-format-call.cloned.1.call-start
scs
called_computation_lowered:
.L_overlay_start_0:
0x0: {  	s2 =	sld [smem:$0x3FD9]  }
0x1: {  	s3 =	sld [smem:$0x3FFE];
	_ =	sdelay $0x1  }
0x2: {  	s1 =	srdreg.scid  }
0x3: {  	s0 =	sand.u32 $0x1, s1  }
0x4: {  	s18 =	sshll.u32 s0, $0xA;
	s2 =	sadd.s32 s3, s2  }
0x5: {  	s2 =	sadd.s32 s2, s18  }
0x6: {  	[smem:$0x3FC4] =	sst s2  }
0x7: {  	_ = 	snop  }
0x8: {  	s2 =	sld [smem:$0x3FD0];
	(tm) =	ssettm $0x1  }
0x9: {  	s19 =	sld [smem:$0x3FFB];
	_ =	sdelay $0x3  }
0xa: {  	_ =	strace s19  }
0xb: {  	s3 =	sld [smem:$0x3FFC];
	_ =	sdelay $0x3  }
0xc: {  	_ =	strace s3  }
0xd: {  	s3 =	sld [smem:$0x3FFD];
	_ =	sdelay $0x3  }
0xe: {  	_ =	strace s3  }
0xf: {  	_ =	strace $0x8FFFFFFF  }
0x10: {  	s20 =	sld [smem:$0x3FDB];
	_ =	sdelay $0x1  }
0x11: {  	s4 =	simm.s32 $_scs_section_size  }
0x12: {  	s5 =	simm.s32 $_size__tile_overlayer_lowered;
	s6 =	simm.s32 $_tile_overlayer_lowered  }
0x13: {  	s23 =	simm.s32 $0x1BFF;
	s22 =	sshll.u32 s6, $0x1;
	s3 =	sadd.s32 s4, s20  }
0x14: {  	s7 =	simm.s32 $0x0;
	s21 =	sshll.u32 s5, $0x1;
	s5 =	sadd.s32 s22, s3  }
0x15: {  	[timem:s7], [sflag:s23] =	dma.local [hbm:s5], s21  }
0x16: {  	_ =	swait.ge [sflag:s23], s21  }
0x17: {  	s4 =	ssub.s32 $0x0, s21;
	[sflag:s23] =	ssyncset.done $0x0  }
0x18: {  	[sflag:s23] =	ssyncadd.s32 s4;
	_ =	sdelay $0x1  }
0x19: {  	s24 =	simm.s32 $0x1B8B  }
0x1a: {  	_ =	swait.ge [sflag:s24], $0x1  }
0x1b: {  	[sflag:s24] =	ssyncset.done $0x0  }
0x1c: {  	s26 =	simm.s32 $0x1B8E;
	s25 =	sld [smem:$0x3FFE];
	[sflag:s24] =	ssyncadd.s32 $0xFFFFFFFF  }
0x1d: {  	s27 =	simm.s32 $execute0_lowered;
	[smem:$0x3FD2] =	sst s26  }
0x1e: {  	s5 =	sshll.u32 s27, $0x1;
	_ =	strace $0x80000049;
	[dreg:$0x1] =	wrdreg $0xFFFFFFFF  }
0x1f: {  	s28 =	simm.s32 $_size_execute0_lowered;
	s3 =	sadd.s32 s3, s5;
	[dreg:$0x0] =	wrdreg $0x0  }
0x20: {  	s5 =	sshll.u32 s28, $0x1;
	[dreg:$0x2] =	wrdreg s3  }
0x21: {  	[dreg:$0x3] =	wrdreg s5  }
0x22: {  	[dreg:$0x4] =	wrdreg $0xC0  }
0x23: {  	_ =	task [dreg:s7], $0x5FFFF  }
0x24: {  	[dreg:$0x1] =	wrdreg $0xFFFFFFFF  }
0x25: {  	[dreg:$0x0] =	wrdreg $0x60  }
0x26: {  	[dreg:$0x2] =	wrdreg s25  }
0x27: {  	[dreg:$0x3] =	wrdreg s2  }
0x28: {  	[dreg:$0x4] =	wrdreg $0x9  }
0x29: {  	_ =	task.clear_ibuf [dreg:s7], $0x5FFFF;
	_ =	strace $0x90000049  }
0x2a: {  	s29 =	simm.s32 $0x9;
	_ =	strace $0x8000004B  }
0x2b: {  	_ =	swait.ge [sflag:s29], $0x1  }
0x2c: {  	[sflag:s29] =	ssyncadd.s32 $0xFFFFFFFF  }
0x2d: {  	_ =	strace $0x9000004B  }
0x2e: {  	_ =	sfence  }
0x2f: {  	s30 =	sld [smem:$0x0];
	_ =	sdelay $0x2  }
0x30: {  	s31 =	sshll.u32 s1, $0xD;
	s1 =	sshrl.u32 s1, $0x2  }
0x31: {  	s3 =	sand.u32 $0x4000, s31;
	s1 =	sadd.s32 s1, s30  }
0x32: {  	s0 =	sor.u32 s3, s0;
	s1 =	sshll.u32 s1, $0x11  }
0x33: {  	s0 =	sor.u32 s1, s0  }
0x34: {  	s0 =	sadd.s32 $0x8F2B, s0  }
0x35: {  	[sflag:s0] =	ssyncadd.remote.s32 $0x1  }
0x36: {  	_ =	sfence.sel $0xFFFF  }
0x37: {  	[dreg:$0x0] =	wrdreg $0xFFFFFFFF;
	(pc) =	sbr.abs _section_cstart, $3  }
0x38: {  	[dreg:$0x1] =	wrdreg $0xFFFFFFFF  }
0x39: {  	_ =	task.clear_ibuf [dreg:s7], $0x2FFFF;
	_ =	strace $0x9FFFFFFF  }
0x3a: {  	(tm) =	ssettm $0x7FFFFFFF  }
0x3b: {  	_ =	shalt  }
tec
execute0_lowered:
.L_overlay_start_1:
0x0: {  	(tag) =	ssettag $0x1  }
0x1: {  	s0 =	srdreg.scid  }
0x2: {  	s1 =	sshll.u32 s0, $0x4  }
0x3: {  	s4 =	rddreg [dreg:$0x0];
	s0 =	stileid.u32;
	s1 =	sand.u32 $0x10, s1  }
0x4: {  	s2 =	rddreg [dreg:$0x1];
	s7 =	simm.s32 $0x1;
	s1 =	sor.u32 s0, s1  }
0x5: {  	s8 =	simm.s32 $0x2;
	s11 =	simm.s32 $0x0;
	s3 =	sshll.u32 s1, $0x7  }
0x6: {  	s10 =	simm.s32 $0x0;
	s4 =	sadd.s32 $0x800, s4;
	s6 =	ssub.s32 $0x32000, s3  }
.Ltmp0:
0x7: {  	s1 =	rddreg [dreg:$0x2];
	s5 =	sand.u32 $0xF80, s6;
	(pc) =	sbr.rel .LBB1_1-.Ltmp0, $4  }
0x8: {  	_ =	strace $0x8000004A;
	s9 =	smov.u32 s3;
	p0 =	sne.s32 s5, $0x0  }
0x9: {  	s6 =	sshrl.u32 s6, $0xC;
	s5 =	simm.s32 $0x1;
	s7 =	simm.s32 @!p0 $0x0  }
0xa: {  	[sflag:s5] =	ssyncpa.u1 $0x0;
	p0 =	por $0x0, $0x0;
	s6 =	sadd.s32 s7, s6  }
0xb: {  	[sflag:s8] =	ssyncpa.u1 $0x0;
	s8 =	simm.s32 $0x190000;
	s7 =	sadd.s32 $0x1, s6  }
.LBB1_4:
0xc: {  	s14 =	sshll.u32 s11, $0x3  }
0xd: {  	s30 =	sand.u32 $0x7F, s11;
	s15 =	sand.u32 $0xFFFFFC00, s14  }
0xe: {  	s11 =	sor.u32 s30, s15  }
0xf: {  	s15 =	smulhi.u32 $0x51EB851F, s11  }
0x10: {  	s14 =	smulhi.u32 $0x51EB851F, s14  }
0x11: {  	s15 =	sshrl.u32 s15, $0x10  }
0x12: {  	s14 =	sshrl.u32 s14, $0x10;
	s15 =	smul.u32 $0x32000, s15  }
0x13: {  	s14 =	sand.u32 $0x3F, s14  }
0x14: {  	s14 =	smul.u32 $0x6400, s14;
	s11 =	ssub.s32 s11, s15  }
0x15: {  	[tilespmem:s13+$0x810 ss:$0x81] =	vst.msk $0xffff, v2;
	s15 =	sand.u32 $0x7, s11  }
0x16: {  	[tilespmem:s13+$0x1020 ss:$0x81] =	vst.msk $0xffff, v0;
	s14 =	sadd.s32 s2, s14;
	s11 =	sshrl.u32 s11, $0x3;
	s15 =	sshll.u32 s15, $0x12  }
0x17: {  	[tilespmem:s13+$0x0 ss:$0x81] =	vst.msk $0xffff, v1;
	s11 =	sadd.s32 s11, s14;
	s31 =	sor.u32 $0x400, s15  }
0x18: {  	[hbm4b:s11+s31] =	stream.strided.scatter [tilespmem:s12], [sflag:$0x2], $0x2000, s8, s31, $0x20;
	[tilespmem:$0x8080] =	vst v63  }
.LBB1_5:
0x19: {  	s13 =	sadd.s32 $0x1000, s9  }
0x1a: {  	p2 =	sgt.s32 s13, $0x31FFF  }
0x1b: {  	s13 =	smov.u32 @p2 s3;
	p2 =	sne.s32 s10, s7  }
.Ltmp1:
0x1c: {  	p1 =	slt.u32 s10, $0x2;
	(pc) =	sbr.rel @!p2 .LBB1_6-.Ltmp1, $4  }
0x1d: {  	s12 =	simm.s32 @!p1 $0x2  }
0x1e: {  	s14 =	sadd.s32 $0x1, s10;
	_ =	swait.ge @!p1 [sflag:s12], $0x2000  }
0x1f: {  	s11 =	smov.u32 s9;
	p0 =	por !p0, !p0;
	[sflag:s12] =	ssyncset.done @!p1 $0x0  }
0x20: {  	s10 =	smov.u32 s14;
	s9 =	smov.u32 s13;
	[sflag:s12] =	ssyncadd.s32 @!p1 $0xFFFFE000  }
.LBB1_1:
0x21: {  	p1 =	sge.u32 s10, s6  }
0x22: {  	s12 =	sand.u32 @!p1 $0x1FFFFFF, s9  }
0x23: {  	s13 =	smulhi.u32 @!p1 $0x147AE15, s12;
	_ =	sdelay $0x1  }
0x24: {  	s13 =	sshrl.u32 @!p1 s13, $0xA  }
0x25: {  	s13 =	smul.u32 @!p1 $0x32000, s13;
	_ =	sdelay $0x1  }
0x26: {  	s31 =	sadd.s32 $0xFFFFFFFF, s10;
	s14 =	sxor.u32 @!p1 $0xFFFFFFFF, s10;
	s12 =	ssub.s32 @!p1 s12, s13  }
0x27: {  	s15 =	simm.s32 @!p1 $0x80;
	s14 =	sshll.u32 @!p1 s14, $0xD;
	s12 =	sshll.u32 @!p1 s12, $0x4  }
0x28: {  	s13 =	sand.u32 @!p1 $0x2000, s14;
	s14 =	simm.s32 @!p1 $0x40;
	s12 =	sadd.s32 @!p1 s4, s12  }
0x29: {  	[tilespmem:s13], [sflag:$0x1] =	stream.strided.gather @!p1 [hbm4b:s12+s14], $0x2000, s15, s14, $0x38;
	[tilespmem:$0x8080] =	vst v63  }
0x2a: {  	p1 =	sge.u32 s31, s6  }
.Ltmp2:
0x2b: {  	_ = 	snop;
	(pc) =	sbr.rel @p1 .LBB1_5-.Ltmp2, $1  }
0x2c: {  	_ =	sdelay $0x3  }
0x2d: {  	s12 =	simm.s32 $0x1  }
0x2e: {  	_ =	swait.ge [sflag:s5], $0x2000;
	s12 =	simm.s32 @!p0 $0x0  }
0x2f: {  	[sflag:s5] =	ssyncset.done $0x0;
	s13 =	sshll.u32 s12, $0xD  }
0x30: {  	[sflag:s5] =	ssyncadd.s32 $0xFFFFE000;
	s16 =	sor.u32 $0x20, s13  }
0x31: {  	s12 =	smul.u32 $0x8100, s12;
	v3 =	vld [tilespmem:s16+$0x10]  }
0x32: {  	s30 =	sand.u32 $0x1, s10;
	v2 =	vld [tilespmem:s16+$0xFFFFFFF0]  }
0x33: {  	s13 =	smul.u32 $0x8100, s30;
	s12 =	sshrl.u32 s12, $0x2;
	v0 =	vld [tilespmem:s16+$0x0]  }
0x34: {  	v1 =	vld [tilespmem:s16+$0xFFFFFFE0];
	s14 =	sor.u32 $0x4000, s12  }
0x35: {  	s31 =	sshrl.u32 s13, $0x2;
	s13 =	sadd.s32 $0x0, s14  }
0x36: {  	s15 =	simm.s32 $0x4;
	s16 =	sadd.s32 $0x40, s16;
	s12 =	sor.u32 $0x4000, s31;
	[tilespmem:s13+$0x1830 ss:$0x81] =	vst.msk $0xffff, v3  }
.LBB1_3:
0x37: {  	v3 =	vld [tilespmem:s16+$0x10];
	p1 =	sne.s32 s15, $0x1FC;
	[tilespmem:s13+$0x810 ss:$0x81] =	vst.msk $0xffff, v2;
	s17 =	smov.u32 s15;
	s15 =	sadd.s32 $0x4, s15  }
.Ltmp3:
0x38: {  	v2 =	vld [tilespmem:s16+$0xFFFFFFF0];
	[tilespmem:s13+$0x1020 ss:$0x81] =	vst.msk $0xffff, v0;
	(pc) =	sbr.rel @p1 .LBB1_3-.Ltmp3, $4  }
0x39: {  	v0 =	vld [tilespmem:s16+$0x0];
	[tilespmem:s13+$0x0 ss:$0x81] =	vst.msk $0xffff, v1  }
0x3a: {  	s13 =	sshra.s32 s17, $0x2;
	v1 =	vld [tilespmem:s16+$0xFFFFFFE0]  }
0x3b: {  	s13 =	sadd.s32 s13, s14  }
0x3c: {  	s16 =	sadd.s32 $0x40, s16;
	[tilespmem:s13+$0x1830 ss:$0x81] =	vst.msk $0xffff, v3  }
.Ltmp4:
0x3d: {  	_ = 	snop;
	(pc) =	sbr.rel .LBB1_4-.Ltmp4, $1  }
0x3e: {  	_ =	sdelay $0x3  }
.LBB1_6:
0x3f: {  	_ =	sfence.sel $0x180000  }
0x40: {  	s2 =	simm.s32 $0x1;
	[bflag:$0x0] =	sbarrier.arrive $0xFFFF  }
0x41: {  	s31 =	simm.s32 $0x2;
	[sflag:s2] =	ssyncpa.u1 $0x1  }
0x42: {  	[sflag:s31] =	ssyncpa.u1 $0x1  }
0x43: {  	p0 =	sne.s32 s0, $0x0;
	_ =	strace $0x9000004A  }
0x44: {  	s0 =	sadd.s32 @!p0 $0x100000, s1;
	[bflag:$0x2] =	sbarrier.arrive $0xFFFF  }
0x45: {  	[sflag:s0] =	ssyncadd.tile.s32 @!p0 $0x1;
	_ =	shalt  }
.Lfunc_end1:
_tile_overlayer_lowered:
.L_overlay_start_2:
0x46: {  	(tag) =	ssettag $0x2  }
0x47: {  	s0 =	rddreg [dreg:$0x0];
	s2 =	stileid.u32  }
0x48: {  	s1 =	rddreg [dreg:$0x1];
	p0 =	sne.s32 s2, $0x0  }
0x49: {  	s3 =	rddreg [dreg:$0x2];
	[bflag:$0x3] =	sbarrier.arrive $0xFFFF;
	s2 =	simm.s32 @!p0 $0x1C01  }
0x4a: {  	[timem:s3], [sflag:s2] =	dma.local @!p0 [hbm:s0], s1  }
0x4b: {  	s0 =	simm.s32 @!p0 $0x1  }
0x4c: {  	_ =	swait.ge @!p0 [sflag:s0], s1  }
0x4d: {  	s1 =	ssub.s32 @!p0 $0x0, s1;
	[sflag:s0] =	ssyncset.done @!p0 $0x0  }
0x4e: {  	[sflag:s0] =	ssyncadd.s32 @!p0 s1  }
0x4f: {  	[bflag:$0x3] =	sbarrier.arrive $0xFFFF  }
0x50: {  	_ =	shalt  }

</sc_bundles>
